<compile_context>
chip_gen: v7x
topology: tpu7x:2x2x1
jax: 0.10.2.dev20260603
libtpu: 0.0.44.dev20260713+nightly
codegen_flags: <defaults>
</compile_context>

<pallas_src>
import jax
import jax.numpy as jnp
from jax import lax
from jax.experimental import pallas as pl
from jax.experimental.pallas import tpu as pltpu
from jax.experimental.pallas import tpu_sc as plsc

NE = 320000
NN = 10000
D = 128

NC = 2
NS = 16
NW = NC * NS
EPW = NE // NW
GS = 80
ISROWS = EPW // GS
NSCH = EPW // GS

RPS_A = 632
RPS_B = NN - 15 * RPS_A

_mesh = plsc.VectorSubcoreMesh(core_axis_name="c", subcore_axis_name="s")


def _scatter_body(eh_hbm, dst_hbm, zero_hbm, parts_hbm,
                  idx_v, ebuf_a, ebuf_b, ebuf_c, sem_a, sem_b, sem_c,
                  mail_sh):
    cid = lax.axis_index("c")
    sid = lax.axis_index("s")
    wid = cid * NS + sid

    @pl.when(sid < NS - 1)
    def _():
        pltpu.sync_copy(zero_hbm.at[pl.ds(sid * RPS_A, RPS_A)],
                        mail_sh.at[pl.ds(sid * RPS_A, RPS_A)])

    @pl.when(sid == NS - 1)
    def _():
        pltpu.sync_copy(zero_hbm.at[pl.ds(15 * RPS_A, RPS_B)],
                        mail_sh.at[pl.ds(15 * RPS_A, RPS_B)])

    plsc.subcore_barrier()

    pltpu.sync_copy(dst_hbm.at[wid], idx_v)
    ebase = wid * EPW

    def load(c, buf, sem):
        pltpu.async_copy(eh_hbm.at[pl.ds(ebase + c * GS, GS)], buf, sem)

    def wait_load(c, buf, sem):
        pltpu.make_async_copy(eh_hbm.at[pl.ds(ebase + c * GS, GS)],
                              buf, sem).wait()

    def scatter(c, buf):
        pltpu.sync_copy(buf, mail_sh.at[idx_v.at[c]], add=True)

    load(0, ebuf_a, sem_a)
    load(1, ebuf_b, sem_b)

    def triple(i, carry):
        c = 3 * i
        load(c + 2, ebuf_c, sem_c)
        wait_load(c, ebuf_a, sem_a)
        scatter(c, ebuf_a)
        load(c + 3, ebuf_a, sem_a)
        wait_load(c + 1, ebuf_b, sem_b)
        scatter(c + 1, ebuf_b)
        load(c + 4, ebuf_b, sem_b)
        wait_load(c + 2, ebuf_c, sem_c)
        scatter(c + 2, ebuf_c)
        return carry

    lax.fori_loop(0, (NSCH - 2) // 3, triple, 0)

    c = NSCH - 2
    wait_load(c, ebuf_a, sem_a)
    scatter(c, ebuf_a)
    wait_load(c + 1, ebuf_b, sem_b)
    scatter(c + 1, ebuf_b)

    plsc.subcore_barrier()

    @pl.when(sid < NS - 1)
    def _():
        pltpu.sync_copy(mail_sh.at[pl.ds(sid * RPS_A, RPS_A)],
                        parts_hbm.at[cid, pl.ds(sid * RPS_A, RPS_A)])

    @pl.when(sid == NS - 1)
    def _():
        pltpu.sync_copy(mail_sh.at[pl.ds(15 * RPS_A, RPS_B)],
                        parts_hbm.at[cid, pl.ds(15 * RPS_A, RPS_B)])


_scatter = pl.kernel(
    _scatter_body,
    out_type=jax.ShapeDtypeStruct((NC, NN, D), jnp.float32),
    mesh=_mesh,
    scratch_types=[
        pltpu.VMEM((ISROWS, GS), jnp.int32),
        pltpu.VMEM((GS, D), jnp.float32),
        pltpu.VMEM((GS, D), jnp.float32),
        pltpu.VMEM((GS, D), jnp.float32),
        pltpu.SemaphoreType.DMA,
        pltpu.SemaphoreType.DMA,
        pltpu.SemaphoreType.DMA,
        pltpu.VMEM_SHARED((NN, D), jnp.float32),
    ],
)


def _gather_body(mw_hbm, src_hbm, out_hbm,
                 idx_v, gbuf_a, gbuf_b, gbuf_c, sem_a, sem_b, sem_c,
                 mw_sh):
    cid = lax.axis_index("c")
    sid = lax.axis_index("s")
    wid = cid * NS + sid

    @pl.when(sid < NS - 1)
    def _():
        pltpu.sync_copy(mw_hbm.at[pl.ds(sid * RPS_A, RPS_A)],
                        mw_sh.at[pl.ds(sid * RPS_A, RPS_A)])

    @pl.when(sid == NS - 1)
    def _():
        pltpu.sync_copy(mw_hbm.at[pl.ds(15 * RPS_A, RPS_B)],
                        mw_sh.at[pl.ds(15 * RPS_A, RPS_B)])

    ebase = wid * EPW
    pltpu.sync_copy(src_hbm.at[pl.ds(ebase, EPW)], idx_v)
    plsc.subcore_barrier()

    def gath(c, buf, sem):
        pltpu.async_copy(mw_sh.at[idx_v.at[pl.ds(c * GS, GS)]], buf, sem)

    def wait_gath(c, buf, sem):
        pltpu.make_async_copy(mw_sh.at[idx_v.at[pl.ds(c * GS, GS)]],
                              buf, sem).wait()

    def store(c, buf):
        pltpu.sync_copy(buf, out_hbm.at[pl.ds(ebase + c * GS, GS)])

    gath(0, gbuf_a, sem_a)
    gath(1, gbuf_b, sem_b)

    def triple(i, carry):
        c = 3 * i
        gath(c + 2, gbuf_c, sem_c)
        wait_gath(c, gbuf_a, sem_a)
        store(c, gbuf_a)
        gath(c + 3, gbuf_a, sem_a)
        wait_gath(c + 1, gbuf_b, sem_b)
        store(c + 1, gbuf_b)
        gath(c + 4, gbuf_b, sem_b)
        wait_gath(c + 2, gbuf_c, sem_c)
        store(c + 2, gbuf_c)
        return carry

    lax.fori_loop(0, (NSCH - 2) // 3, triple, 0)

    c = NSCH - 2
    wait_gath(c, gbuf_a, sem_a)
    store(c, gbuf_a)
    wait_gath(c + 1, gbuf_b, sem_b)
    store(c + 1, gbuf_b)


_gather = pl.kernel(
    _gather_body,
    out_type=jax.ShapeDtypeStruct((NE, D), jnp.float32),
    mesh=_mesh,
    scratch_types=[
        pltpu.VMEM((EPW,), jnp.int32),
        pltpu.VMEM((GS, D), jnp.float32),
        pltpu.VMEM((GS, D), jnp.float32),
        pltpu.VMEM((GS, D), jnp.float32),
        pltpu.SemaphoreType.DMA,
        pltpu.SemaphoreType.DMA,
        pltpu.SemaphoreType.DMA,
        pltpu.VMEM_SHARED((NN, D), jnp.float32),
    ],
)


def _mailw_body(parts_ref, w_ref, o_ref):
    p = parts_ref[0] + parts_ref[1]
    o_ref[...] = jnp.dot(p, w_ref[...], preferred_element_type=jnp.float32)


def _fused_body(g_ref, eh_ref, ei_ref, w_ref, o_ref):
    o_ref[...] = (g_ref[...]
                  - jnp.dot(eh_ref[...], w_ref[...],
                            preferred_element_type=jnp.float32)
                  + ei_ref[...])


_MAILW_BLK = 1000
_FUSE_BLK = 6400


def kernel(edge_hidden, edge_init, W, edge_index):
    src = edge_index[0]
    dst = edge_index[1].reshape(NW, ISROWS, GS)
    zeros = jnp.zeros((NN, D), jnp.float32)

    parts = _scatter(edge_hidden, dst, zeros)

    mail_w = pl.pallas_call(
        _mailw_body,
        grid=(NN // _MAILW_BLK,),
        in_specs=[
            pl.BlockSpec((NC, _MAILW_BLK, D), lambda i: (0, i, 0)),
            pl.BlockSpec((D, D), lambda i: (0, 0)),
        ],
        out_specs=pl.BlockSpec((_MAILW_BLK, D), lambda i: (i, 0)),
        out_shape=jax.ShapeDtypeStruct((NN, D), jnp.float32),
    )(parts, W)

    gathered = _gather(mail_w, src)

    out = pl.pallas_call(
        _fused_body,
        grid=(NE // _FUSE_BLK,),
        in_specs=[
            pl.BlockSpec((_FUSE_BLK, D), lambda i: (i, 0)),
            pl.BlockSpec((_FUSE_BLK, D), lambda i: (i, 0)),
            pl.BlockSpec((_FUSE_BLK, D), lambda i: (i, 0)),
            pl.BlockSpec((D, D), lambda i: (0, 0)),
        ],
        out_specs=pl.BlockSpec((_FUSE_BLK, D), lambda i: (i, 0)),
        out_shape=jax.ShapeDtypeStruct((NE, D), jnp.float32),
    )(gathered, edge_hidden, edge_init, W)

    return out

# --- scband reference (transcript-rebuilt; emitter-appended) ---
"""Pipeline reference for scband-single-layer-19542101197173 (READ-ONLY COPY).

The authoritative reference and input builder live on the scoring server;
editing this copy changes nothing except your own understanding.
"""

import jax, jax.numpy as jnp
import numpy as np

N_NODES = 10000
N_EDGES = 320000
D = 128

def setup_inputs(seed: int = 0) -> dict:
    key = jax.random.key(seed)
    k1, k2, k3, k4 = jax.random.split(key, 4)
    edge_index = jax.random.randint(k1, (2, N_EDGES), 0, N_NODES, dtype=jnp.int64 if jax.config.jax_enable_x64 else jnp.int32).astype(jnp.int32)
    edge_hidden = jax.random.normal(k2, (N_EDGES, D), dtype=jnp.float32)
    edge_init = jax.random.normal(k3, (N_EDGES, D), dtype=jnp.float32)
    # nn.Parameter(torch.rand(d, d)) -> uniform [0, 1)
    W = jax.random.uniform(k4, (D, D), dtype=jnp.float32)
    return {"edge_hidden": edge_hidden, "edge_init": edge_init, "W": W, "edge_index": edge_index}

def reference(edge_hidden, edge_init, W, edge_index):
    src = edge_index[0]
    dst = edge_index[1]
    # update_all: gcn_msg copies edge 'hidden' to dst mailbox; gcn_reduce sums -> node 'mail'
    mail = jax.ops.segment_sum(edge_hidden, dst, num_segments=N_NODES)
    # apply_edges: edge_update
    pseud_converge = jnp.take(mail, src, axis=0) - edge_hidden
    feature_mm = pseud_converge @ W
    feature_output = feature_mm + edge_init
    return feature_output

if __name__ == "__main__":
    import jax
    _d = setup_inputs()
    print(jax.jit(kernel)(*tuple(_d.values())))

</pallas_src>

<mosaic_0001>
#map = affine_map<(d0, d1) -> (0, 0)>
#map1 = affine_map<(d0, d1) -> (0, 0, 0)>
module attributes {stable_mosaic.version = 14 : i64} {
  func.func @_scatter_body(%arg0: i32, %arg1: i32, %arg2: memref<320000x128xf32, #tpu.memory_space<hbm>>, %arg3: memref<32x125x80xi32, #tpu.memory_space<hbm>>, %arg4: memref<10000x128xf32, #tpu.memory_space<hbm>>, %arg5: memref<2x10000x128xf32, #tpu.memory_space<hbm>>, %arg6: memref<125x80xi32, #tpu.memory_space<vmem>>, %arg7: memref<80x128xf32, #tpu.memory_space<vmem>>, %arg8: memref<80x128xf32, #tpu.memory_space<vmem>>, %arg9: memref<80x128xf32, #tpu.memory_space<vmem>>, %arg10: memref<!tpu.dma_semaphore, #tpu.memory_space<semaphore_mem>>, %arg11: memref<!tpu.dma_semaphore, #tpu.memory_space<semaphore_mem>>, %arg12: memref<!tpu.dma_semaphore, #tpu.memory_space<semaphore_mem>>, %arg13: memref<10000x128xf32, #tpu.memory_space<vmem_shared>>) attributes {dimension_semantics = [#tpu.dimension_semantics<core_parallel>, #tpu.dimension_semantics<subcore_parallel>], iteration_bounds = array<i64: 2, 16>, scalar_prefetch = 0 : i64, scratch_operands = 8 : i64, tpu.core_type = #tpu.core_type<sc_vector_subcore>, window_params = [{transform_indices = #map}, {transform_indices = #map1}, {transform_indices = #map}, {transform_indices = #map1}]} {
    %mul3A = arith.constant 16 : i32
    %mul3A_0 = arith.muli %arg0, %mul3A : i32
    %add3A = arith.addi %mul3A_0, %arg1 : i32
    %lt3A = arith.constant 15 : i32
    %lt3A_1 = arith.cmpi slt, %arg1, %lt3A : i32
    %convert_element_type3A = arith.extui %lt3A_1 : i1 to i32
    %cond3A = arith.constant 0 : i32
    %cond3A_2 = arith.cmpi ne, %convert_element_type3A, %cond3A : i32
    scf.if %cond3A_2 {
      %mul3A_48 = arith.constant 632 : i32
      %mul3A_49 = arith.muli %arg1, %mul3A_48 : i32
      %mul3A_50 = arith.constant 632 : i32
      %mul3A_51 = arith.muli %arg1, %mul3A_50 : i32
      "tpu.region"() ({
        %run_scoped3A_52 = tpu.sem_alloc : memref<!tpu.dma_semaphore, #tpu.memory_space<semaphore_mem>>
        %dma_start3A_53 = arith.constant 0 : i32
        %dma_start3A_54 = tpu.memref_slice %arg13[%mul3A_51, %dma_start3A_53] : memref<10000x128xf32, #tpu.memory_space<vmem_shared>> -> memref<632x128xf32, #tpu.memory_space<vmem_shared>>
        %dma_start3A_55 = arith.constant 0 : i32
        %dma_start3A_56 = tpu.memref_slice %arg4[%mul3A_49, %dma_start3A_55] : memref<10000x128xf32, #tpu.memory_space<hbm>> -> memref<632x128xf32, #tpu.memory_space<hbm>>
        tpu.enqueue_dma source(%dma_start3A_56 : memref<632x128xf32, #tpu.memory_space<hbm>>) target(%dma_start3A_54 : memref<632x128xf32, #tpu.memory_space<vmem_shared>>) target_semaphore(%run_scoped3A_52 : memref<!tpu.dma_semaphore, #tpu.memory_space<semaphore_mem>>)
        %dma_wait3A_57 = arith.constant 0 : i32
        %dma_wait3A_58 = tpu.memref_slice %arg13[%mul3A_51, %dma_wait3A_57] : memref<10000x128xf32, #tpu.memory_space<vmem_shared>> -> memref<632x128xf32, #tpu.memory_space<vmem_shared>>
        %dma_wait3A_59 = arith.constant 0 : i32
        %dma_wait3A_60 = tpu.memref_slice %arg4[%mul3A_49, %dma_wait3A_59] : memref<10000x128xf32, #tpu.memory_space<hbm>> -> memref<632x128xf32, #tpu.memory_space<hbm>>
        tpu.wait_dma2 semaphore(%run_scoped3A_52 : memref<!tpu.dma_semaphore, #tpu.memory_space<semaphore_mem>>) src(%dma_wait3A_60 : memref<632x128xf32, #tpu.memory_space<hbm>>) dst(%dma_wait3A_58 : memref<632x128xf32, #tpu.memory_space<vmem_shared>>)
        tpu.yield
      }) : () -> ()
    } else {
    }
    %eq3A = arith.constant 15 : i32
    %eq3A_3 = arith.cmpi eq, %arg1, %eq3A : i32
    %convert_element_type3A_4 = arith.extui %eq3A_3 : i1 to i32
    %cond3A_5 = arith.constant 0 : i32
    %cond3A_6 = arith.cmpi ne, %convert_element_type3A_4, %cond3A_5 : i32
    scf.if %cond3A_6 {
      "tpu.region"() ({
        %run_scoped3A_48 = tpu.sem_alloc : memref<!tpu.dma_semaphore, #tpu.memory_space<semaphore_mem>>
        %dma_start3A_49 = arith.constant 9480 : i32
        %dma_start3A_50 = arith.constant 0 : i32
        %dma_start3A_51 = tpu.memref_slice %arg13[%dma_start3A_49, %dma_start3A_50] : memref<10000x128xf32, #tpu.memory_space<vmem_shared>> -> memref<520x128xf32, #tpu.memory_space<vmem_shared>>
        %dma_start3A_52 = arith.constant 9480 : i32
        %dma_start3A_53 = arith.constant 0 : i32
        %dma_start3A_54 = tpu.memref_slice %arg4[%dma_start3A_52, %dma_start3A_53] : memref<10000x128xf32, #tpu.memory_space<hbm>> -> memref<520x128xf32, #tpu.memory_space<hbm>>
        tpu.enqueue_dma source(%dma_start3A_54 : memref<520x128xf32, #tpu.memory_space<hbm>>) target(%dma_start3A_51 : memref<520x128xf32, #tpu.memory_space<vmem_shared>>) target_semaphore(%run_scoped3A_48 : memref<!tpu.dma_semaphore, #tpu.memory_space<semaphore_mem>>)
        %dma_wait3A_55 = arith.constant 9480 : i32
        %dma_wait3A_56 = arith.constant 0 : i32
        %dma_wait3A_57 = tpu.memref_slice %arg13[%dma_wait3A_55, %dma_wait3A_56] : memref<10000x128xf32, #tpu.memory_space<vmem_shared>> -> memref<520x128xf32, #tpu.memory_space<vmem_shared>>
        %dma_wait3A_58 = arith.constant 9480 : i32
        %dma_wait3A_59 = arith.constant 0 : i32
        %dma_wait3A_60 = tpu.memref_slice %arg4[%dma_wait3A_58, %dma_wait3A_59] : memref<10000x128xf32, #tpu.memory_space<hbm>> -> memref<520x128xf32, #tpu.memory_space<hbm>>
        tpu.wait_dma2 semaphore(%run_scoped3A_48 : memref<!tpu.dma_semaphore, #tpu.memory_space<semaphore_mem>>) src(%dma_wait3A_60 : memref<520x128xf32, #tpu.memory_space<hbm>>) dst(%dma_wait3A_57 : memref<520x128xf32, #tpu.memory_space<vmem_shared>>)
        tpu.yield
      }) : () -> ()
    } else {
    }
    %barrier3A = arith.constant 0 : index
    tpu.barrier barrier_id(%barrier3A)
    "tpu.region"() ({
      %run_scoped3A_48 = tpu.sem_alloc : memref<!tpu.dma_semaphore, #tpu.memory_space<semaphore_mem>>
      %dma_start3A_49 = arith.constant 0 : i32
      %dma_start3A_50 = arith.constant 0 : i32
      %dma_start3A_51 = tpu.memref_slice %arg3[%add3A, %dma_start3A_49, %dma_start3A_50] : memref<32x125x80xi32, #tpu.memory_space<hbm>> -> memref<1x125x80xi32, #tpu.memory_space<hbm>>
      %dma_start3A_52 = tpu.memref_squeeze %dma_start3A_51 : memref<1x125x80xi32, #tpu.memory_space<hbm>> -> memref<125x80xi32, #tpu.memory_space<hbm>>
      %dma_start3A_53 = arith.constant 0 : i32
      %dma_start3A_54 = arith.constant 0 : i32
      %dma_start3A_55 = tpu.memref_slice %arg3[%add3A, %dma_start3A_53, %dma_start3A_54] : memref<32x125x80xi32, #tpu.memory_space<hbm>> -> memref<1x125x80xi32, #tpu.memory_space<hbm>>
      %dma_start3A_56 = tpu.memref_squeeze %dma_start3A_55 : memref<1x125x80xi32, #tpu.memory_space<hbm>> -> memref<125x80xi32, #tpu.memory_space<hbm>>
      tpu.enqueue_dma source(%dma_start3A_56 : memref<125x80xi32, #tpu.memory_space<hbm>>) target(%arg6 : memref<125x80xi32, #tpu.memory_space<vmem>>) target_semaphore(%run_scoped3A_48 : memref<!tpu.dma_semaphore, #tpu.memory_space<semaphore_mem>>)
      %dma_wait3A_57 = arith.constant 0 : i32
      %dma_wait3A_58 = arith.constant 0 : i32
      %dma_wait3A_59 = tpu.memref_slice %arg3[%add3A, %dma_wait3A_57, %dma_wait3A_58] : memref<32x125x80xi32, #tpu.memory_space<hbm>> -> memref<1x125x80xi32, #tpu.memory_space<hbm>>
      %dma_wait3A_60 = tpu.memref_squeeze %dma_wait3A_59 : memref<1x125x80xi32, #tpu.memory_space<hbm>> -> memref<125x80xi32, #tpu.memory_space<hbm>>
      %dma_wait3A_61 = arith.constant 0 : i32
      %dma_wait3A_62 = arith.constant 0 : i32
      %dma_wait3A_63 = tpu.memref_slice %arg3[%add3A, %dma_wait3A_61, %dma_wait3A_62] : memref<32x125x80xi32, #tpu.memory_space<hbm>> -> memref<1x125x80xi32, #tpu.memory_space<hbm>>
      %dma_wait3A_64 = tpu.memref_squeeze %dma_wait3A_63 : memref<1x125x80xi32, #tpu.memory_space<hbm>> -> memref<125x80xi32, #tpu.memory_space<hbm>>
      tpu.wait_dma2 semaphore(%run_scoped3A_48 : memref<!tpu.dma_semaphore, #tpu.memory_space<semaphore_mem>>) src(%dma_wait3A_64 : memref<125x80xi32, #tpu.memory_space<hbm>>) dst(%arg6 : memref<125x80xi32, #tpu.memory_space<vmem>>)
      tpu.yield
    }) : () -> ()
    %mul3A_7 = arith.constant 10000 : i32
    %mul3A_8 = arith.muli %add3A, %mul3A_7 : i32
    %add3A_9 = arith.constant 0 : i32
    %add3A_10 = arith.addi %mul3A_8, %add3A_9 : i32
    %dma_start3A = arith.constant 0 : i32
    %dma_start3A_11 = tpu.memref_slice %arg2[%add3A_10, %dma_start3A] : memref<320000x128xf32, #tpu.memory_space<hbm>> -> memref<80x128xf32, #tpu.memory_space<hbm>>
    %dma_start3A_12 = arith.constant 0 : i32
    %dma_start3A_13 = tpu.memref_slice %arg2[%add3A_10, %dma_start3A_12] : memref<320000x128xf32, #tpu.memory_space<hbm>> -> memref<80x128xf32, #tpu.memory_space<hbm>>
    tpu.enqueue_dma source(%dma_start3A_13 : memref<80x128xf32, #tpu.memory_space<hbm>>) target(%arg7 : memref<80x128xf32, #tpu.memory_space<vmem>>) target_semaphore(%arg10 : memref<!tpu.dma_semaphore, #tpu.memory_space<semaphore_mem>>)
    %add3A_14 = arith.constant 80 : i32
    %add3A_15 = arith.addi %mul3A_8, %add3A_14 : i32
    %dma_start3A_16 = arith.constant 0 : i32
    %dma_start3A_17 = tpu.memref_slice %arg2[%add3A_15, %dma_start3A_16] : memref<320000x128xf32, #tpu.memory_space<hbm>> -> memref<80x128xf32, #tpu.memory_space<hbm>>
    %dma_start3A_18 = arith.constant 0 : i32
    %dma_start3A_19 = tpu.memref_slice %arg2[%add3A_15, %dma_start3A_18] : memref<320000x128xf32, #tpu.memory_space<hbm>> -> memref<80x128xf32, #tpu.memory_space<hbm>>
    tpu.enqueue_dma source(%dma_start3A_19 : memref<80x128xf32, #tpu.memory_space<hbm>>) target(%arg8 : memref<80x128xf32, #tpu.memory_space<vmem>>) target_semaphore(%arg11 : memref<!tpu.dma_semaphore, #tpu.memory_space<semaphore_mem>>)
    %scan3A = arith.constant 0 : i32
    %scan3A_20 = arith.constant 0 : i32
    %scan3A_21 = arith.constant 41 : i32
    %scan3A_22 = arith.addi %scan3A_20, %scan3A_21 : i32
    %scan3A_23 = arith.constant 1 : i32
    scf.for %scan3A_48 = %scan3A_20 to %scan3A_22 step %scan3A_23  : i32 {
      %mul3A_49 = arith.constant 3 : i32
      %mul3A_50 = arith.muli %mul3A_49, %scan3A_48 : i32
      %add3A_51 = arith.constant 2 : i32
      %add3A_52 = arith.addi %mul3A_50, %add3A_51 : i32
      %mul3A_53 = arith.constant 80 : i32
      %mul3A_54 = arith.muli %add3A_52, %mul3A_53 : i32
      %add3A_55 = arith.addi %mul3A_8, %mul3A_54 : i32
      %dma_start3A_56 = arith.constant 0 : i32
      %dma_start3A_57 = tpu.memref_slice %arg2[%add3A_55, %dma_start3A_56] : memref<320000x128xf32, #tpu.memory_space<hbm>> -> memref<80x128xf32, #tpu.memory_space<hbm>>
      %dma_start3A_58 = arith.constant 0 : i32
      %dma_start3A_59 = tpu.memref_slice %arg2[%add3A_55, %dma_start3A_58] : memref<320000x128xf32, #tpu.memory_space<hbm>> -> memref<80x128xf32, #tpu.memory_space<hbm>>
      tpu.enqueue_dma source(%dma_start3A_59 : memref<80x128xf32, #tpu.memory_space<hbm>>) target(%arg9 : memref<80x128xf32, #tpu.memory_space<vmem>>) target_semaphore(%arg12 : memref<!tpu.dma_semaphore, #tpu.memory_space<semaphore_mem>>)
      %mul3A_60 = arith.constant 80 : i32
      %mul3A_61 = arith.muli %mul3A_50, %mul3A_60 : i32
      %add3A_62 = arith.addi %mul3A_8, %mul3A_61 : i32
      %dma_wait3A_63 = arith.constant 0 : i32
      %dma_wait3A_64 = tpu.memref_slice %arg2[%add3A_62, %dma_wait3A_63] : memref<320000x128xf32, #tpu.memory_space<hbm>> -> memref<80x128xf32, #tpu.memory_space<hbm>>
      %dma_wait3A_65 = arith.constant 0 : i32
      %dma_wait3A_66 = tpu.memref_slice %arg2[%add3A_62, %dma_wait3A_65] : memref<320000x128xf32, #tpu.memory_space<hbm>> -> memref<80x128xf32, #tpu.memory_space<hbm>>
      tpu.wait_dma2 semaphore(%arg10 : memref<!tpu.dma_semaphore, #tpu.memory_space<semaphore_mem>>) src(%dma_wait3A_66 : memref<80x128xf32, #tpu.memory_space<hbm>>) dst(%arg7 : memref<80x128xf32, #tpu.memory_space<vmem>>)
      "tpu.region"() ({
        %run_scoped3A_107 = tpu.sem_alloc : memref<!tpu.dma_semaphore, #tpu.memory_space<semaphore_mem>>
        %dma_start3A_108 = arith.constant 0 : i32
        %dma_start3A_109 = tpu.memref_slice %arg6[%mul3A_50, %dma_start3A_108] : memref<125x80xi32, #tpu.memory_space<vmem>> -> memref<1x80xi32, #tpu.memory_space<vmem>>
        %dma_start3A_110 = tpu.memref_squeeze %dma_start3A_109 : memref<1x80xi32, #tpu.memory_space<vmem>> -> memref<80xi32, #tpu.memory_space<vmem>>
        %dma_start3A_111 = arith.constant 0 : i32
        %dma_start3A_112 = arith.constant 0 : i32
        %dma_start3A_113 = tpu.memref_slice %arg13[%dma_start3A_111, %dma_start3A_112] : memref<10000x128xf32, #tpu.memory_space<vmem_shared>> -> memref<10000x128xf32, #tpu.memory_space<vmem_shared>>
        tpu.enqueue_indirect_dma source(%arg7 : memref<80x128xf32, #tpu.memory_space<vmem>>) target(%dma_start3A_113 : memref<10000x128xf32, #tpu.memory_space<vmem_shared>>) offsets(%dma_start3A_110 : memref<80xi32, #tpu.memory_space<vmem>>) semaphore(%run_scoped3A_107 : memref<!tpu.dma_semaphore, #tpu.memory_space<semaphore_mem>>) {add = true}
        %dma_wait3A_114 = arith.constant 0 : i32
        %dma_wait3A_115 = tpu.memref_slice %arg6[%mul3A_50, %dma_wait3A_114] : memref<125x80xi32, #tpu.memory_space<vmem>> -> memref<1x80xi32, #tpu.memory_space<vmem>>
        %dma_wait3A_116 = tpu.memref_squeeze %dma_wait3A_115 : memref<1x80xi32, #tpu.memory_space<vmem>> -> memref<80xi32, #tpu.memory_space<vmem>>
        %dma_wait3A_117 = arith.constant 0 : i32
        %dma_wait3A_118 = arith.constant 0 : i32
        %dma_wait3A_119 = tpu.memref_slice %arg13[%dma_wait3A_117, %dma_wait3A_118] : memref<10000x128xf32, #tpu.memory_space<vmem_shared>> -> memref<10000x128xf32, #tpu.memory_space<vmem_shared>>
        tpu.wait_indirect_dma semaphore(%run_scoped3A_107 : memref<!tpu.dma_semaphore, #tpu.memory_space<semaphore_mem>>) src(%arg7 : memref<80x128xf32, #tpu.memory_space<vmem>>) dst(%dma_wait3A_119 : memref<10000x128xf32, #tpu.memory_space<vmem_shared>>)
        tpu.yield
      }) : () -> ()
      %add3A_67 = arith.constant 3 : i32
      %add3A_68 = arith.addi %mul3A_50, %add3A_67 : i32
      %mul3A_69 = arith.constant 80 : i32
      %mul3A_70 = arith.muli %add3A_68, %mul3A_69 : i32
      %add3A_71 = arith.addi %mul3A_8, %mul3A_70 : i32
      %dma_start3A_72 = arith.constant 0 : i32
      %dma_start3A_73 = tpu.memref_slice %arg2[%add3A_71, %dma_start3A_72] : memref<320000x128xf32, #tpu.memory_space<hbm>> -> memref<80x128xf32, #tpu.memory_space<hbm>>
      %dma_start3A_74 = arith.constant 0 : i32
      %dma_start3A_75 = tpu.memref_slice %arg2[%add3A_71, %dma_start3A_74] : memref<320000x128xf32, #tpu.memory_space<hbm>> -> memref<80x128xf32, #tpu.memory_space<hbm>>
      tpu.enqueue_dma source(%dma_start3A_75 : memref<80x128xf32, #tpu.memory_space<hbm>>) target(%arg7 : memref<80x128xf32, #tpu.memory_space<vmem>>) target_semaphore(%arg10 : memref<!tpu.dma_semaphore, #tpu.memory_space<semaphore_mem>>)
      %add3A_76 = arith.constant 1 : i32
      %add3A_77 = arith.addi %mul3A_50, %add3A_76 : i32
      %mul3A_78 = arith.constant 80 : i32
      %mul3A_79 = arith.muli %add3A_77, %mul3A_78 : i32
      %add3A_80 = arith.addi %mul3A_8, %mul3A_79 : i32
      %dma_wait3A_81 = arith.constant 0 : i32
      %dma_wait3A_82 = tpu.memref_slice %arg2[%add3A_80, %dma_wait3A_81] : memref<320000x128xf32, #tpu.memory_space<hbm>> -> memref<80x128xf32, #tpu.memory_space<hbm>>
      %dma_wait3A_83 = arith.constant 0 : i32
      %dma_wait3A_84 = tpu.memref_slice %arg2[%add3A_80, %dma_wait3A_83] : memref<320000x128xf32, #tpu.memory_space<hbm>> -> memref<80x128xf32, #tpu.memory_space<hbm>>
      tpu.wait_dma2 semaphore(%arg11 : memref<!tpu.dma_semaphore, #tpu.memory_space<semaphore_mem>>) src(%dma_wait3A_84 : memref<80x128xf32, #tpu.memory_space<hbm>>) dst(%arg8 : memref<80x128xf32, #tpu.memory_space<vmem>>)
      %add3A_85 = arith.constant 1 : i32
      %add3A_86 = arith.addi %mul3A_50, %add3A_85 : i32
      "tpu.region"() ({
        %run_scoped3A_107 = tpu.sem_alloc : memref<!tpu.dma_semaphore, #tpu.memory_space<semaphore_mem>>
        %dma_start3A_108 = arith.constant 0 : i32
        %dma_start3A_109 = tpu.memref_slice %arg6[%add3A_86, %dma_start3A_108] : memref<125x80xi32, #tpu.memory_space<vmem>> -> memref<1x80xi32, #tpu.memory_space<vmem>>
        %dma_start3A_110 = tpu.memref_squeeze %dma_start3A_109 : memref<1x80xi32, #tpu.memory_space<vmem>> -> memref<80xi32, #tpu.memory_space<vmem>>
        %dma_start3A_111 = arith.constant 0 : i32
        %dma_start3A_112 = arith.constant 0 : i32
        %dma_start3A_113 = tpu.memref_slice %arg13[%dma_start3A_111, %dma_start3A_112] : memref<10000x128xf32, #tpu.memory_space<vmem_shared>> -> memref<10000x128xf32, #tpu.memory_space<vmem_shared>>
        tpu.enqueue_indirect_dma source(%arg8 : memref<80x128xf32, #tpu.memory_space<vmem>>) target(%dma_start3A_113 : memref<10000x128xf32, #tpu.memory_space<vmem_shared>>) offsets(%dma_start3A_110 : memref<80xi32, #tpu.memory_space<vmem>>) semaphore(%run_scoped3A_107 : memref<!tpu.dma_semaphore, #tpu.memory_space<semaphore_mem>>) {add = true}
        %dma_wait3A_114 = arith.constant 0 : i32
        %dma_wait3A_115 = tpu.memref_slice %arg6[%add3A_86, %dma_wait3A_114] : memref<125x80xi32, #tpu.memory_space<vmem>> -> memref<1x80xi32, #tpu.memory_space<vmem>>
        %dma_wait3A_116 = tpu.memref_squeeze %dma_wait3A_115 : memref<1x80xi32, #tpu.memory_space<vmem>> -> memref<80xi32, #tpu.memory_space<vmem>>
        %dma_wait3A_117 = arith.constant 0 : i32
        %dma_wait3A_118 = arith.constant 0 : i32
        %dma_wait3A_119 = tpu.memref_slice %arg13[%dma_wait3A_117, %dma_wait3A_118] : memref<10000x128xf32, #tpu.memory_space<vmem_shared>> -> memref<10000x128xf32, #tpu.memory_space<vmem_shared>>
        tpu.wait_indirect_dma semaphore(%run_scoped3A_107 : memref<!tpu.dma_semaphore, #tpu.memory_space<semaphore_mem>>) src(%arg8 : memref<80x128xf32, #tpu.memory_space<vmem>>) dst(%dma_wait3A_119 : memref<10000x128xf32, #tpu.memory_space<vmem_shared>>)
        tpu.yield
      }) : () -> ()
      %add3A_87 = arith.constant 4 : i32
      %add3A_88 = arith.addi %mul3A_50, %add3A_87 : i32
      %mul3A_89 = arith.constant 80 : i32
      %mul3A_90 = arith.muli %add3A_88, %mul3A_89 : i32
      %add3A_91 = arith.addi %mul3A_8, %mul3A_90 : i32
      %dma_start3A_92 = arith.constant 0 : i32
      %dma_start3A_93 = tpu.memref_slice %arg2[%add3A_91, %dma_start3A_92] : memref<320000x128xf32, #tpu.memory_space<hbm>> -> memref<80x128xf32, #tpu.memory_space<hbm>>
      %dma_start3A_94 = arith.constant 0 : i32
      %dma_start3A_95 = tpu.memref_slice %arg2[%add3A_91, %dma_start3A_94] : memref<320000x128xf32, #tpu.memory_space<hbm>> -> memref<80x128xf32, #tpu.memory_space<hbm>>
      tpu.enqueue_dma source(%dma_start3A_95 : memref<80x128xf32, #tpu.memory_space<hbm>>) target(%arg8 : memref<80x128xf32, #tpu.memory_space<vmem>>) target_semaphore(%arg11 : memref<!tpu.dma_semaphore, #tpu.memory_space<semaphore_mem>>)
      %add3A_96 = arith.constant 2 : i32
      %add3A_97 = arith.addi %mul3A_50, %add3A_96 : i32
      %mul3A_98 = arith.constant 80 : i32
      %mul3A_99 = arith.muli %add3A_97, %mul3A_98 : i32
      %add3A_100 = arith.addi %mul3A_8, %mul3A_99 : i32
      %dma_wait3A_101 = arith.constant 0 : i32
      %dma_wait3A_102 = tpu.memref_slice %arg2[%add3A_100, %dma_wait3A_101] : memref<320000x128xf32, #tpu.memory_space<hbm>> -> memref<80x128xf32, #tpu.memory_space<hbm>>
      %dma_wait3A_103 = arith.constant 0 : i32
      %dma_wait3A_104 = tpu.memref_slice %arg2[%add3A_100, %dma_wait3A_103] : memref<320000x128xf32, #tpu.memory_space<hbm>> -> memref<80x128xf32, #tpu.memory_space<hbm>>
      tpu.wait_dma2 semaphore(%arg12 : memref<!tpu.dma_semaphore, #tpu.memory_space<semaphore_mem>>) src(%dma_wait3A_104 : memref<80x128xf32, #tpu.memory_space<hbm>>) dst(%arg9 : memref<80x128xf32, #tpu.memory_space<vmem>>)
      %add3A_105 = arith.constant 2 : i32
      %add3A_106 = arith.addi %mul3A_50, %add3A_105 : i32
      "tpu.region"() ({
        %run_scoped3A_107 = tpu.sem_alloc : memref<!tpu.dma_semaphore, #tpu.memory_space<semaphore_mem>>
        %dma_start3A_108 = arith.constant 0 : i32
        %dma_start3A_109 = tpu.memref_slice %arg6[%add3A_106, %dma_start3A_108] : memref<125x80xi32, #tpu.memory_space<vmem>> -> memref<1x80xi32, #tpu.memory_space<vmem>>
        %dma_start3A_110 = tpu.memref_squeeze %dma_start3A_109 : memref<1x80xi32, #tpu.memory_space<vmem>> -> memref<80xi32, #tpu.memory_space<vmem>>
        %dma_start3A_111 = arith.constant 0 : i32
        %dma_start3A_112 = arith.constant 0 : i32
        %dma_start3A_113 = tpu.memref_slice %arg13[%dma_start3A_111, %dma_start3A_112] : memref<10000x128xf32, #tpu.memory_space<vmem_shared>> -> memref<10000x128xf32, #tpu.memory_space<vmem_shared>>
        tpu.enqueue_indirect_dma source(%arg9 : memref<80x128xf32, #tpu.memory_space<vmem>>) target(%dma_start3A_113 : memref<10000x128xf32, #tpu.memory_space<vmem_shared>>) offsets(%dma_start3A_110 : memref<80xi32, #tpu.memory_space<vmem>>) semaphore(%run_scoped3A_107 : memref<!tpu.dma_semaphore, #tpu.memory_space<semaphore_mem>>) {add = true}
        %dma_wait3A_114 = arith.constant 0 : i32
        %dma_wait3A_115 = tpu.memref_slice %arg6[%add3A_106, %dma_wait3A_114] : memref<125x80xi32, #tpu.memory_space<vmem>> -> memref<1x80xi32, #tpu.memory_space<vmem>>
        %dma_wait3A_116 = tpu.memref_squeeze %dma_wait3A_115 : memref<1x80xi32, #tpu.memory_space<vmem>> -> memref<80xi32, #tpu.memory_space<vmem>>
        %dma_wait3A_117 = arith.constant 0 : i32
        %dma_wait3A_118 = arith.constant 0 : i32
        %dma_wait3A_119 = tpu.memref_slice %arg13[%dma_wait3A_117, %dma_wait3A_118] : memref<10000x128xf32, #tpu.memory_space<vmem_shared>> -> memref<10000x128xf32, #tpu.memory_space<vmem_shared>>
        tpu.wait_indirect_dma semaphore(%run_scoped3A_107 : memref<!tpu.dma_semaphore, #tpu.memory_space<semaphore_mem>>) src(%arg9 : memref<80x128xf32, #tpu.memory_space<vmem>>) dst(%dma_wait3A_119 : memref<10000x128xf32, #tpu.memory_space<vmem_shared>>)
        tpu.yield
      }) : () -> ()
    }
    %scan3A_24 = arith.constant 41 : i32
    %add3A_25 = arith.constant 9840 : i32
    %add3A_26 = arith.addi %mul3A_8, %add3A_25 : i32
    %dma_wait3A = arith.constant 0 : i32
    %dma_wait3A_27 = tpu.memref_slice %arg2[%add3A_26, %dma_wait3A] : memref<320000x128xf32, #tpu.memory_space<hbm>> -> memref<80x128xf32, #tpu.memory_space<hbm>>
    %dma_wait3A_28 = arith.constant 0 : i32
    %dma_wait3A_29 = tpu.memref_slice %arg2[%add3A_26, %dma_wait3A_28] : memref<320000x128xf32, #tpu.memory_space<hbm>> -> memref<80x128xf32, #tpu.memory_space<hbm>>
    tpu.wait_dma2 semaphore(%arg10 : memref<!tpu.dma_semaphore, #tpu.memory_space<semaphore_mem>>) src(%dma_wait3A_29 : memref<80x128xf32, #tpu.memory_space<hbm>>) dst(%arg7 : memref<80x128xf32, #tpu.memory_space<vmem>>)
    %run_scoped3A = arith.constant 123 : i32
    "tpu.region"() ({
      %run_scoped3A_48 = tpu.sem_alloc : memref<!tpu.dma_semaphore, #tpu.memory_space<semaphore_mem>>
      %dma_start3A_49 = arith.constant 0 : i32
      %dma_start3A_50 = tpu.memref_slice %arg6[%run_scoped3A, %dma_start3A_49] : memref<125x80xi32, #tpu.memory_space<vmem>> -> memref<1x80xi32, #tpu.memory_space<vmem>>
      %dma_start3A_51 = tpu.memref_squeeze %dma_start3A_50 : memref<1x80xi32, #tpu.memory_space<vmem>> -> memref<80xi32, #tpu.memory_space<vmem>>
      %dma_start3A_52 = arith.constant 0 : i32
      %dma_start3A_53 = arith.constant 0 : i32
      %dma_start3A_54 = tpu.memref_slice %arg13[%dma_start3A_52, %dma_start3A_53] : memref<10000x128xf32, #tpu.memory_space<vmem_shared>> -> memref<10000x128xf32, #tpu.memory_space<vmem_shared>>
      tpu.enqueue_indirect_dma source(%arg7 : memref<80x128xf32, #tpu.memory_space<vmem>>) target(%dma_start3A_54 : memref<10000x128xf32, #tpu.memory_space<vmem_shared>>) offsets(%dma_start3A_51 : memref<80xi32, #tpu.memory_space<vmem>>) semaphore(%run_scoped3A_48 : memref<!tpu.dma_semaphore, #tpu.memory_space<semaphore_mem>>) {add = true}
      %dma_wait3A_55 = arith.constant 0 : i32
      %dma_wait3A_56 = tpu.memref_slice %arg6[%run_scoped3A, %dma_wait3A_55] : memref<125x80xi32, #tpu.memory_space<vmem>> -> memref<1x80xi32, #tpu.memory_space<vmem>>
      %dma_wait3A_57 = tpu.memref_squeeze %dma_wait3A_56 : memref<1x80xi32, #tpu.memory_space<vmem>> -> memref<80xi32, #tpu.memory_space<vmem>>
      %dma_wait3A_58 = arith.constant 0 : i32
      %dma_wait3A_59 = arith.constant 0 : i32
      %dma_wait3A_60 = tpu.memref_slice %arg13[%dma_wait3A_58, %dma_wait3A_59] : memref<10000x128xf32, #tpu.memory_space<vmem_shared>> -> memref<10000x128xf32, #tpu.memory_space<vmem_shared>>
      tpu.wait_indirect_dma semaphore(%run_scoped3A_48 : memref<!tpu.dma_semaphore, #tpu.memory_space<semaphore_mem>>) src(%arg7 : memref<80x128xf32, #tpu.memory_space<vmem>>) dst(%dma_wait3A_60 : memref<10000x128xf32, #tpu.memory_space<vmem_shared>>)
      tpu.yield
    }) : () -> ()
    %add3A_30 = arith.constant 9920 : i32
    %add3A_31 = arith.addi %mul3A_8, %add3A_30 : i32
    %dma_wait3A_32 = arith.constant 0 : i32
    %dma_wait3A_33 = tpu.memref_slice %arg2[%add3A_31, %dma_wait3A_32] : memref<320000x128xf32, #tpu.memory_space<hbm>> -> memref<80x128xf32, #tpu.memory_space<hbm>>
    %dma_wait3A_34 = arith.constant 0 : i32
    %dma_wait3A_35 = tpu.memref_slice %arg2[%add3A_31, %dma_wait3A_34] : memref<320000x128xf32, #tpu.memory_space<hbm>> -> memref<80x128xf32, #tpu.memory_space<hbm>>
    tpu.wait_dma2 semaphore(%arg11 : memref<!tpu.dma_semaphore, #tpu.memory_space<semaphore_mem>>) src(%dma_wait3A_35 : memref<80x128xf32, #tpu.memory_space<hbm>>) dst(%arg8 : memref<80x128xf32, #tpu.memory_space<vmem>>)
    %run_scoped3A_36 = arith.constant 124 : i32
    "tpu.region"() ({
      %run_scoped3A_48 = tpu.sem_alloc : memref<!tpu.dma_semaphore, #tpu.memory_space<semaphore_mem>>
      %dma_start3A_49 = arith.constant 0 : i32
      %dma_start3A_50 = tpu.memref_slice %arg6[%run_scoped3A_36, %dma_start3A_49] : memref<125x80xi32, #tpu.memory_space<vmem>> -> memref<1x80xi32, #tpu.memory_space<vmem>>
      %dma_start3A_51 = tpu.memref_squeeze %dma_start3A_50 : memref<1x80xi32, #tpu.memory_space<vmem>> -> memref<80xi32, #tpu.memory_space<vmem>>
      %dma_start3A_52 = arith.constant 0 : i32
      %dma_start3A_53 = arith.constant 0 : i32
      %dma_start3A_54 = tpu.memref_slice %arg13[%dma_start3A_52, %dma_start3A_53] : memref<10000x128xf32, #tpu.memory_space<vmem_shared>> -> memref<10000x128xf32, #tpu.memory_space<vmem_shared>>
      tpu.enqueue_indirect_dma source(%arg8 : memref<80x128xf32, #tpu.memory_space<vmem>>) target(%dma_start3A_54 : memref<10000x128xf32, #tpu.memory_space<vmem_shared>>) offsets(%dma_start3A_51 : memref<80xi32, #tpu.memory_space<vmem>>) semaphore(%run_scoped3A_48 : memref<!tpu.dma_semaphore, #tpu.memory_space<semaphore_mem>>) {add = true}
      %dma_wait3A_55 = arith.constant 0 : i32
      %dma_wait3A_56 = tpu.memref_slice %arg6[%run_scoped3A_36, %dma_wait3A_55] : memref<125x80xi32, #tpu.memory_space<vmem>> -> memref<1x80xi32, #tpu.memory_space<vmem>>
      %dma_wait3A_57 = tpu.memref_squeeze %dma_wait3A_56 : memref<1x80xi32, #tpu.memory_space<vmem>> -> memref<80xi32, #tpu.memory_space<vmem>>
      %dma_wait3A_58 = arith.constant 0 : i32
      %dma_wait3A_59 = arith.constant 0 : i32
      %dma_wait3A_60 = tpu.memref_slice %arg13[%dma_wait3A_58, %dma_wait3A_59] : memref<10000x128xf32, #tpu.memory_space<vmem_shared>> -> memref<10000x128xf32, #tpu.memory_space<vmem_shared>>
      tpu.wait_indirect_dma semaphore(%run_scoped3A_48 : memref<!tpu.dma_semaphore, #tpu.memory_space<semaphore_mem>>) src(%arg8 : memref<80x128xf32, #tpu.memory_space<vmem>>) dst(%dma_wait3A_60 : memref<10000x128xf32, #tpu.memory_space<vmem_shared>>)
      tpu.yield
    }) : () -> ()
    %barrier3A_37 = arith.constant 0 : index
    tpu.barrier barrier_id(%barrier3A_37)
    %lt3A_38 = arith.constant 15 : i32
    %lt3A_39 = arith.cmpi slt, %arg1, %lt3A_38 : i32
    %convert_element_type3A_40 = arith.extui %lt3A_39 : i1 to i32
    %cond3A_41 = arith.constant 0 : i32
    %cond3A_42 = arith.cmpi ne, %convert_element_type3A_40, %cond3A_41 : i32
    scf.if %cond3A_42 {
      %mul3A_48 = arith.constant 632 : i32
      %mul3A_49 = arith.muli %arg1, %mul3A_48 : i32
      %mul3A_50 = arith.constant 632 : i32
      %mul3A_51 = arith.muli %arg1, %mul3A_50 : i32
      "tpu.region"() ({
        %run_scoped3A_52 = tpu.sem_alloc : memref<!tpu.dma_semaphore, #tpu.memory_space<semaphore_mem>>
        %dma_start3A_53 = arith.constant 0 : i32
        %dma_start3A_54 = tpu.memref_slice %arg5[%arg0, %mul3A_51, %dma_start3A_53] : memref<2x10000x128xf32, #tpu.memory_space<hbm>> -> memref<1x632x128xf32, #tpu.memory_space<hbm>>
        %dma_start3A_55 = tpu.memref_squeeze %dma_start3A_54 : memref<1x632x128xf32, #tpu.memory_space<hbm>> -> memref<632x128xf32, #tpu.memory_space<hbm>>
        %dma_start3A_56 = arith.constant 0 : i32
        %dma_start3A_57 = tpu.memref_slice %arg13[%mul3A_49, %dma_start3A_56] : memref<10000x128xf32, #tpu.memory_space<vmem_shared>> -> memref<632x128xf32, #tpu.memory_space<vmem_shared>>
        tpu.enqueue_dma source(%dma_start3A_57 : memref<632x128xf32, #tpu.memory_space<vmem_shared>>) target(%dma_start3A_55 : memref<632x128xf32, #tpu.memory_space<hbm>>) target_semaphore(%run_scoped3A_52 : memref<!tpu.dma_semaphore, #tpu.memory_space<semaphore_mem>>)
        %dma_wait3A_58 = arith.constant 0 : i32
        %dma_wait3A_59 = tpu.memref_slice %arg5[%arg0, %mul3A_51, %dma_wait3A_58] : memref<2x10000x128xf32, #tpu.memory_space<hbm>> -> memref<1x632x128xf32, #tpu.memory_space<hbm>>
        %dma_wait3A_60 = tpu.memref_squeeze %dma_wait3A_59 : memref<1x632x128xf32, #tpu.memory_space<hbm>> -> memref<632x128xf32, #tpu.memory_space<hbm>>
        %dma_wait3A_61 = arith.constant 0 : i32
        %dma_wait3A_62 = tpu.memref_slice %arg13[%mul3A_49, %dma_wait3A_61] : memref<10000x128xf32, #tpu.memory_space<vmem_shared>> -> memref<632x128xf32, #tpu.memory_space<vmem_shared>>
        tpu.wait_dma2 semaphore(%run_scoped3A_52 : memref<!tpu.dma_semaphore, #tpu.memory_space<semaphore_mem>>) src(%dma_wait3A_62 : memref<632x128xf32, #tpu.memory_space<vmem_shared>>) dst(%dma_wait3A_60 : memref<632x128xf32, #tpu.memory_space<hbm>>)
        tpu.yield
      }) : () -> ()
    } else {
    }
    %eq3A_43 = arith.constant 15 : i32
    %eq3A_44 = arith.cmpi eq, %arg1, %eq3A_43 : i32
    %convert_element_type3A_45 = arith.extui %eq3A_44 : i1 to i32
    %cond3A_46 = arith.constant 0 : i32
    %cond3A_47 = arith.cmpi ne, %convert_element_type3A_45, %cond3A_46 : i32
    scf.if %cond3A_47 {
      "tpu.region"() ({
        %run_scoped3A_48 = tpu.sem_alloc : memref<!tpu.dma_semaphore, #tpu.memory_space<semaphore_mem>>
        %dma_start3A_49 = arith.constant 9480 : i32
        %dma_start3A_50 = arith.constant 0 : i32
        %dma_start3A_51 = tpu.memref_slice %arg5[%arg0, %dma_start3A_49, %dma_start3A_50] : memref<2x10000x128xf32, #tpu.memory_space<hbm>> -> memref<1x520x128xf32, #tpu.memory_space<hbm>>
        %dma_start3A_52 = tpu.memref_squeeze %dma_start3A_51 : memref<1x520x128xf32, #tpu.memory_space<hbm>> -> memref<520x128xf32, #tpu.memory_space<hbm>>
        %dma_start3A_53 = arith.constant 9480 : i32
        %dma_start3A_54 = arith.constant 0 : i32
        %dma_start3A_55 = tpu.memref_slice %arg13[%dma_start3A_53, %dma_start3A_54] : memref<10000x128xf32, #tpu.memory_space<vmem_shared>> -> memref<520x128xf32, #tpu.memory_space<vmem_shared>>
        tpu.enqueue_dma source(%dma_start3A_55 : memref<520x128xf32, #tpu.memory_space<vmem_shared>>) target(%dma_start3A_52 : memref<520x128xf32, #tpu.memory_space<hbm>>) target_semaphore(%run_scoped3A_48 : memref<!tpu.dma_semaphore, #tpu.memory_space<semaphore_mem>>)
        %dma_wait3A_56 = arith.constant 9480 : i32
        %dma_wait3A_57 = arith.constant 0 : i32
        %dma_wait3A_58 = tpu.memref_slice %arg5[%arg0, %dma_wait3A_56, %dma_wait3A_57] : memref<2x10000x128xf32, #tpu.memory_space<hbm>> -> memref<1x520x128xf32, #tpu.memory_space<hbm>>
        %dma_wait3A_59 = tpu.memref_squeeze %dma_wait3A_58 : memref<1x520x128xf32, #tpu.memory_space<hbm>> -> memref<520x128xf32, #tpu.memory_space<hbm>>
        %dma_wait3A_60 = arith.constant 9480 : i32
        %dma_wait3A_61 = arith.constant 0 : i32
        %dma_wait3A_62 = tpu.memref_slice %arg13[%dma_wait3A_60, %dma_wait3A_61] : memref<10000x128xf32, #tpu.memory_space<vmem_shared>> -> memref<520x128xf32, #tpu.memory_space<vmem_shared>>
        tpu.wait_dma2 semaphore(%run_scoped3A_48 : memref<!tpu.dma_semaphore, #tpu.memory_space<semaphore_mem>>) src(%dma_wait3A_62 : memref<520x128xf32, #tpu.memory_space<vmem_shared>>) dst(%dma_wait3A_59 : memref<520x128xf32, #tpu.memory_space<hbm>>)
        tpu.yield
      }) : () -> ()
    } else {
    }
    return
  }
}

#map = affine_map<(d0, d1) -> (0, 0)>
#map1 = affine_map<(d0, d1) -> (0)>
module attributes {stable_mosaic.version = 14 : i64} {
  func.func @_gather_body(%arg0: i32, %arg1: i32, %arg2: memref<10000x128xf32, #tpu.memory_space<hbm>>, %arg3: memref<320000xi32, #tpu.memory_space<hbm>>, %arg4: memref<320000x128xf32, #tpu.memory_space<hbm>>, %arg5: memref<10000xi32, #tpu.memory_space<vmem>>, %arg6: memref<80x128xf32, #tpu.memory_space<vmem>>, %arg7: memref<80x128xf32, #tpu.memory_space<vmem>>, %arg8: memref<80x128xf32, #tpu.memory_space<vmem>>, %arg9: memref<!tpu.dma_semaphore, #tpu.memory_space<semaphore_mem>>, %arg10: memref<!tpu.dma_semaphore, #tpu.memory_space<semaphore_mem>>, %arg11: memref<!tpu.dma_semaphore, #tpu.memory_space<semaphore_mem>>, %arg12: memref<10000x128xf32, #tpu.memory_space<vmem_shared>>) attributes {dimension_semantics = [#tpu.dimension_semantics<core_parallel>, #tpu.dimension_semantics<subcore_parallel>], iteration_bounds = array<i64: 2, 16>, scalar_prefetch = 0 : i64, scratch_operands = 8 : i64, tpu.core_type = #tpu.core_type<sc_vector_subcore>, window_params = [{transform_indices = #map}, {transform_indices = #map1}, {transform_indices = #map}]} {
    %mul3A = arith.constant 16 : i32
    %mul3A_0 = arith.muli %arg0, %mul3A : i32
    %add3A = arith.addi %mul3A_0, %arg1 : i32
    %lt3A = arith.constant 15 : i32
    %lt3A_1 = arith.cmpi slt, %arg1, %lt3A : i32
    %convert_element_type3A = arith.extui %lt3A_1 : i1 to i32
    %cond3A = arith.constant 0 : i32
    %cond3A_2 = arith.cmpi ne, %convert_element_type3A, %cond3A : i32
    scf.if %cond3A_2 {
      %mul3A_36 = arith.constant 632 : i32
      %mul3A_37 = arith.muli %arg1, %mul3A_36 : i32
      %mul3A_38 = arith.constant 632 : i32
      %mul3A_39 = arith.muli %arg1, %mul3A_38 : i32
      "tpu.region"() ({
        %run_scoped3A = tpu.sem_alloc : memref<!tpu.dma_semaphore, #tpu.memory_space<semaphore_mem>>
        %dma_start3A_40 = arith.constant 0 : i32
        %dma_start3A_41 = tpu.memref_slice %arg12[%mul3A_39, %dma_start3A_40] : memref<10000x128xf32, #tpu.memory_space<vmem_shared>> -> memref<632x128xf32, #tpu.memory_space<vmem_shared>>
        %dma_start3A_42 = arith.constant 0 : i32
        %dma_start3A_43 = tpu.memref_slice %arg2[%mul3A_37, %dma_start3A_42] : memref<10000x128xf32, #tpu.memory_space<hbm>> -> memref<632x128xf32, #tpu.memory_space<hbm>>
        tpu.enqueue_dma source(%dma_start3A_43 : memref<632x128xf32, #tpu.memory_space<hbm>>) target(%dma_start3A_41 : memref<632x128xf32, #tpu.memory_space<vmem_shared>>) target_semaphore(%run_scoped3A : memref<!tpu.dma_semaphore, #tpu.memory_space<semaphore_mem>>)
        %dma_wait3A_44 = arith.constant 0 : i32
        %dma_wait3A_45 = tpu.memref_slice %arg12[%mul3A_39, %dma_wait3A_44] : memref<10000x128xf32, #tpu.memory_space<vmem_shared>> -> memref<632x128xf32, #tpu.memory_space<vmem_shared>>
        %dma_wait3A_46 = arith.constant 0 : i32
        %dma_wait3A_47 = tpu.memref_slice %arg2[%mul3A_37, %dma_wait3A_46] : memref<10000x128xf32, #tpu.memory_space<hbm>> -> memref<632x128xf32, #tpu.memory_space<hbm>>
        tpu.wait_dma2 semaphore(%run_scoped3A : memref<!tpu.dma_semaphore, #tpu.memory_space<semaphore_mem>>) src(%dma_wait3A_47 : memref<632x128xf32, #tpu.memory_space<hbm>>) dst(%dma_wait3A_45 : memref<632x128xf32, #tpu.memory_space<vmem_shared>>)
        tpu.yield
      }) : () -> ()
    } else {
    }
    %eq3A = arith.constant 15 : i32
    %eq3A_3 = arith.cmpi eq, %arg1, %eq3A : i32
    %convert_element_type3A_4 = arith.extui %eq3A_3 : i1 to i32
    %cond3A_5 = arith.constant 0 : i32
    %cond3A_6 = arith.cmpi ne, %convert_element_type3A_4, %cond3A_5 : i32
    scf.if %cond3A_6 {
      "tpu.region"() ({
        %run_scoped3A = tpu.sem_alloc : memref<!tpu.dma_semaphore, #tpu.memory_space<semaphore_mem>>
        %dma_start3A_36 = arith.constant 9480 : i32
        %dma_start3A_37 = arith.constant 0 : i32
        %dma_start3A_38 = tpu.memref_slice %arg12[%dma_start3A_36, %dma_start3A_37] : memref<10000x128xf32, #tpu.memory_space<vmem_shared>> -> memref<520x128xf32, #tpu.memory_space<vmem_shared>>
        %dma_start3A_39 = arith.constant 9480 : i32
        %dma_start3A_40 = arith.constant 0 : i32
        %dma_start3A_41 = tpu.memref_slice %arg2[%dma_start3A_39, %dma_start3A_40] : memref<10000x128xf32, #tpu.memory_space<hbm>> -> memref<520x128xf32, #tpu.memory_space<hbm>>
        tpu.enqueue_dma source(%dma_start3A_41 : memref<520x128xf32, #tpu.memory_space<hbm>>) target(%dma_start3A_38 : memref<520x128xf32, #tpu.memory_space<vmem_shared>>) target_semaphore(%run_scoped3A : memref<!tpu.dma_semaphore, #tpu.memory_space<semaphore_mem>>)
        %dma_wait3A_42 = arith.constant 9480 : i32
        %dma_wait3A_43 = arith.constant 0 : i32
        %dma_wait3A_44 = tpu.memref_slice %arg12[%dma_wait3A_42, %dma_wait3A_43] : memref<10000x128xf32, #tpu.memory_space<vmem_shared>> -> memref<520x128xf32, #tpu.memory_space<vmem_shared>>
        %dma_wait3A_45 = arith.constant 9480 : i32
        %dma_wait3A_46 = arith.constant 0 : i32
        %dma_wait3A_47 = tpu.memref_slice %arg2[%dma_wait3A_45, %dma_wait3A_46] : memref<10000x128xf32, #tpu.memory_space<hbm>> -> memref<520x128xf32, #tpu.memory_space<hbm>>
        tpu.wait_dma2 semaphore(%run_scoped3A : memref<!tpu.dma_semaphore, #tpu.memory_space<semaphore_mem>>) src(%dma_wait3A_47 : memref<520x128xf32, #tpu.memory_space<hbm>>) dst(%dma_wait3A_44 : memref<520x128xf32, #tpu.memory_space<vmem_shared>>)
        tpu.yield
      }) : () -> ()
    } else {
    }
    %mul3A_7 = arith.constant 10000 : i32
    %mul3A_8 = arith.muli %add3A, %mul3A_7 : i32
    "tpu.region"() ({
      %run_scoped3A = tpu.sem_alloc : memref<!tpu.dma_semaphore, #tpu.memory_space<semaphore_mem>>
      %dma_start3A_36 = tpu.memref_slice %arg3[%mul3A_8] : memref<320000xi32, #tpu.memory_space<hbm>> -> memref<10000xi32, #tpu.memory_space<hbm>>
      %dma_start3A_37 = tpu.memref_slice %arg3[%mul3A_8] : memref<320000xi32, #tpu.memory_space<hbm>> -> memref<10000xi32, #tpu.memory_space<hbm>>
      tpu.enqueue_dma source(%dma_start3A_37 : memref<10000xi32, #tpu.memory_space<hbm>>) target(%arg5 : memref<10000xi32, #tpu.memory_space<vmem>>) target_semaphore(%run_scoped3A : memref<!tpu.dma_semaphore, #tpu.memory_space<semaphore_mem>>)
      %dma_wait3A_38 = tpu.memref_slice %arg3[%mul3A_8] : memref<320000xi32, #tpu.memory_space<hbm>> -> memref<10000xi32, #tpu.memory_space<hbm>>
      %dma_wait3A_39 = tpu.memref_slice %arg3[%mul3A_8] : memref<320000xi32, #tpu.memory_space<hbm>> -> memref<10000xi32, #tpu.memory_space<hbm>>
      tpu.wait_dma2 semaphore(%run_scoped3A : memref<!tpu.dma_semaphore, #tpu.memory_space<semaphore_mem>>) src(%dma_wait3A_39 : memref<10000xi32, #tpu.memory_space<hbm>>) dst(%arg5 : memref<10000xi32, #tpu.memory_space<vmem>>)
      tpu.yield
    }) : () -> ()
    %barrier3A = arith.constant 0 : index
    tpu.barrier barrier_id(%barrier3A)
    %dma_start3A = arith.constant 0 : i32
    %dma_start3A_9 = tpu.memref_slice %arg5[%dma_start3A] : memref<10000xi32, #tpu.memory_space<vmem>> -> memref<80xi32, #tpu.memory_space<vmem>>
    %dma_start3A_10 = arith.constant 0 : i32
    %dma_start3A_11 = arith.constant 0 : i32
    %dma_start3A_12 = tpu.memref_slice %arg12[%dma_start3A_10, %dma_start3A_11] : memref<10000x128xf32, #tpu.memory_space<vmem_shared>> -> memref<10000x128xf32, #tpu.memory_space<vmem_shared>>
    tpu.enqueue_indirect_dma source(%dma_start3A_12 : memref<10000x128xf32, #tpu.memory_space<vmem_shared>>) target(%arg6 : memref<80x128xf32, #tpu.memory_space<vmem>>) offsets(%dma_start3A_9 : memref<80xi32, #tpu.memory_space<vmem>>) semaphore(%arg9 : memref<!tpu.dma_semaphore, #tpu.memory_space<semaphore_mem>>)
    %dma_start3A_13 = arith.constant 80 : i32
    %dma_start3A_14 = tpu.memref_slice %arg5[%dma_start3A_13] : memref<10000xi32, #tpu.memory_space<vmem>> -> memref<80xi32, #tpu.memory_space<vmem>>
    %dma_start3A_15 = arith.constant 0 : i32
    %dma_start3A_16 = arith.constant 0 : i32
    %dma_start3A_17 = tpu.memref_slice %arg12[%dma_start3A_15, %dma_start3A_16] : memref<10000x128xf32, #tpu.memory_space<vmem_shared>> -> memref<10000x128xf32, #tpu.memory_space<vmem_shared>>
    tpu.enqueue_indirect_dma source(%dma_start3A_17 : memref<10000x128xf32, #tpu.memory_space<vmem_shared>>) target(%arg7 : memref<80x128xf32, #tpu.memory_space<vmem>>) offsets(%dma_start3A_14 : memref<80xi32, #tpu.memory_space<vmem>>) semaphore(%arg10 : memref<!tpu.dma_semaphore, #tpu.memory_space<semaphore_mem>>)
    %scan3A = arith.constant 0 : i32
    %scan3A_18 = arith.constant 0 : i32
    %scan3A_19 = arith.constant 41 : i32
    %scan3A_20 = arith.addi %scan3A_18, %scan3A_19 : i32
    %scan3A_21 = arith.constant 1 : i32
    scf.for %scan3A_36 = %scan3A_18 to %scan3A_20 step %scan3A_21  : i32 {
      %mul3A_37 = arith.constant 3 : i32
      %mul3A_38 = arith.muli %mul3A_37, %scan3A_36 : i32
      %add3A_39 = arith.constant 2 : i32
      %add3A_40 = arith.addi %mul3A_38, %add3A_39 : i32
      %mul3A_41 = arith.constant 80 : i32
      %mul3A_42 = arith.muli %add3A_40, %mul3A_41 : i32
      %dma_start3A_43 = tpu.memref_slice %arg5[%mul3A_42] : memref<10000xi32, #tpu.memory_space<vmem>> -> memref<80xi32, #tpu.memory_space<vmem>>
      %dma_start3A_44 = arith.constant 0 : i32
      %dma_start3A_45 = arith.constant 0 : i32
      %dma_start3A_46 = tpu.memref_slice %arg12[%dma_start3A_44, %dma_start3A_45] : memref<10000x128xf32, #tpu.memory_space<vmem_shared>> -> memref<10000x128xf32, #tpu.memory_space<vmem_shared>>
      tpu.enqueue_indirect_dma source(%dma_start3A_46 : memref<10000x128xf32, #tpu.memory_space<vmem_shared>>) target(%arg8 : memref<80x128xf32, #tpu.memory_space<vmem>>) offsets(%dma_start3A_43 : memref<80xi32, #tpu.memory_space<vmem>>) semaphore(%arg11 : memref<!tpu.dma_semaphore, #tpu.memory_space<semaphore_mem>>)
      %mul3A_47 = arith.constant 80 : i32
      %mul3A_48 = arith.muli %mul3A_38, %mul3A_47 : i32
      %dma_wait3A_49 = tpu.memref_slice %arg5[%mul3A_48] : memref<10000xi32, #tpu.memory_space<vmem>> -> memref<80xi32, #tpu.memory_space<vmem>>
      %dma_wait3A_50 = arith.constant 0 : i32
      %dma_wait3A_51 = arith.constant 0 : i32
      %dma_wait3A_52 = tpu.memref_slice %arg12[%dma_wait3A_50, %dma_wait3A_51] : memref<10000x128xf32, #tpu.memory_space<vmem_shared>> -> memref<10000x128xf32, #tpu.memory_space<vmem_shared>>
      tpu.wait_indirect_dma semaphore(%arg9 : memref<!tpu.dma_semaphore, #tpu.memory_space<semaphore_mem>>) src(%dma_wait3A_52 : memref<10000x128xf32, #tpu.memory_space<vmem_shared>>) dst(%arg6 : memref<80x128xf32, #tpu.memory_space<vmem>>)
      %mul3A_53 = arith.constant 80 : i32
      %mul3A_54 = arith.muli %mul3A_38, %mul3A_53 : i32
      %add3A_55 = arith.addi %mul3A_8, %mul3A_54 : i32
      "tpu.region"() ({
        %run_scoped3A = tpu.sem_alloc : memref<!tpu.dma_semaphore, #tpu.memory_space<semaphore_mem>>
        %dma_start3A_98 = arith.constant 0 : i32
        %dma_start3A_99 = tpu.memref_slice %arg4[%add3A_55, %dma_start3A_98] : memref<320000x128xf32, #tpu.memory_space<hbm>> -> memref<80x128xf32, #tpu.memory_space<hbm>>
        %dma_start3A_100 = arith.constant 0 : i32
        %dma_start3A_101 = tpu.memref_slice %arg4[%add3A_55, %dma_start3A_100] : memref<320000x128xf32, #tpu.memory_space<hbm>> -> memref<80x128xf32, #tpu.memory_space<hbm>>
        tpu.enqueue_dma source(%arg6 : memref<80x128xf32, #tpu.memory_space<vmem>>) target(%dma_start3A_101 : memref<80x128xf32, #tpu.memory_space<hbm>>) target_semaphore(%run_scoped3A : memref<!tpu.dma_semaphore, #tpu.memory_space<semaphore_mem>>)
        %dma_wait3A_102 = arith.constant 0 : i32
        %dma_wait3A_103 = tpu.memref_slice %arg4[%add3A_55, %dma_wait3A_102] : memref<320000x128xf32, #tpu.memory_space<hbm>> -> memref<80x128xf32, #tpu.memory_space<hbm>>
        %dma_wait3A_104 = arith.constant 0 : i32
        %dma_wait3A_105 = tpu.memref_slice %arg4[%add3A_55, %dma_wait3A_104] : memref<320000x128xf32, #tpu.memory_space<hbm>> -> memref<80x128xf32, #tpu.memory_space<hbm>>
        tpu.wait_dma2 semaphore(%run_scoped3A : memref<!tpu.dma_semaphore, #tpu.memory_space<semaphore_mem>>) src(%arg6 : memref<80x128xf32, #tpu.memory_space<vmem>>) dst(%dma_wait3A_105 : memref<80x128xf32, #tpu.memory_space<hbm>>)
        tpu.yield
      }) : () -> ()
      %add3A_56 = arith.constant 3 : i32
      %add3A_57 = arith.addi %mul3A_38, %add3A_56 : i32
      %mul3A_58 = arith.constant 80 : i32
      %mul3A_59 = arith.muli %add3A_57, %mul3A_58 : i32
      %dma_start3A_60 = tpu.memref_slice %arg5[%mul3A_59] : memref<10000xi32, #tpu.memory_space<vmem>> -> memref<80xi32, #tpu.memory_space<vmem>>
      %dma_start3A_61 = arith.constant 0 : i32
      %dma_start3A_62 = arith.constant 0 : i32
      %dma_start3A_63 = tpu.memref_slice %arg12[%dma_start3A_61, %dma_start3A_62] : memref<10000x128xf32, #tpu.memory_space<vmem_shared>> -> memref<10000x128xf32, #tpu.memory_space<vmem_shared>>
      tpu.enqueue_indirect_dma source(%dma_start3A_63 : memref<10000x128xf32, #tpu.memory_space<vmem_shared>>) target(%arg6 : memref<80x128xf32, #tpu.memory_space<vmem>>) offsets(%dma_start3A_60 : memref<80xi32, #tpu.memory_space<vmem>>) semaphore(%arg9 : memref<!tpu.dma_semaphore, #tpu.memory_space<semaphore_mem>>)
      %add3A_64 = arith.constant 1 : i32
      %add3A_65 = arith.addi %mul3A_38, %add3A_64 : i32
      %mul3A_66 = arith.constant 80 : i32
      %mul3A_67 = arith.muli %add3A_65, %mul3A_66 : i32
      %dma_wait3A_68 = tpu.memref_slice %arg5[%mul3A_67] : memref<10000xi32, #tpu.memory_space<vmem>> -> memref<80xi32, #tpu.memory_space<vmem>>
      %dma_wait3A_69 = arith.constant 0 : i32
      %dma_wait3A_70 = arith.constant 0 : i32
      %dma_wait3A_71 = tpu.memref_slice %arg12[%dma_wait3A_69, %dma_wait3A_70] : memref<10000x128xf32, #tpu.memory_space<vmem_shared>> -> memref<10000x128xf32, #tpu.memory_space<vmem_shared>>
      tpu.wait_indirect_dma semaphore(%arg10 : memref<!tpu.dma_semaphore, #tpu.memory_space<semaphore_mem>>) src(%dma_wait3A_71 : memref<10000x128xf32, #tpu.memory_space<vmem_shared>>) dst(%arg7 : memref<80x128xf32, #tpu.memory_space<vmem>>)
      %add3A_72 = arith.constant 1 : i32
      %add3A_73 = arith.addi %mul3A_38, %add3A_72 : i32
      %mul3A_74 = arith.constant 80 : i32
      %mul3A_75 = arith.muli %add3A_73, %mul3A_74 : i32
      %add3A_76 = arith.addi %mul3A_8, %mul3A_75 : i32
      "tpu.region"() ({
        %run_scoped3A = tpu.sem_alloc : memref<!tpu.dma_semaphore, #tpu.memory_space<semaphore_mem>>
        %dma_start3A_98 = arith.constant 0 : i32
        %dma_start3A_99 = tpu.memref_slice %arg4[%add3A_76, %dma_start3A_98] : memref<320000x128xf32, #tpu.memory_space<hbm>> -> memref<80x128xf32, #tpu.memory_space<hbm>>
        %dma_start3A_100 = arith.constant 0 : i32
        %dma_start3A_101 = tpu.memref_slice %arg4[%add3A_76, %dma_start3A_100] : memref<320000x128xf32, #tpu.memory_space<hbm>> -> memref<80x128xf32, #tpu.memory_space<hbm>>
        tpu.enqueue_dma source(%arg7 : memref<80x128xf32, #tpu.memory_space<vmem>>) target(%dma_start3A_101 : memref<80x128xf32, #tpu.memory_space<hbm>>) target_semaphore(%run_scoped3A : memref<!tpu.dma_semaphore, #tpu.memory_space<semaphore_mem>>)
        %dma_wait3A_102 = arith.constant 0 : i32
        %dma_wait3A_103 = tpu.memref_slice %arg4[%add3A_76, %dma_wait3A_102] : memref<320000x128xf32, #tpu.memory_space<hbm>> -> memref<80x128xf32, #tpu.memory_space<hbm>>
        %dma_wait3A_104 = arith.constant 0 : i32
        %dma_wait3A_105 = tpu.memref_slice %arg4[%add3A_76, %dma_wait3A_104] : memref<320000x128xf32, #tpu.memory_space<hbm>> -> memref<80x128xf32, #tpu.memory_space<hbm>>
        tpu.wait_dma2 semaphore(%run_scoped3A : memref<!tpu.dma_semaphore, #tpu.memory_space<semaphore_mem>>) src(%arg7 : memref<80x128xf32, #tpu.memory_space<vmem>>) dst(%dma_wait3A_105 : memref<80x128xf32, #tpu.memory_space<hbm>>)
        tpu.yield
      }) : () -> ()
      %add3A_77 = arith.constant 4 : i32
      %add3A_78 = arith.addi %mul3A_38, %add3A_77 : i32
      %mul3A_79 = arith.constant 80 : i32
      %mul3A_80 = arith.muli %add3A_78, %mul3A_79 : i32
      %dma_start3A_81 = tpu.memref_slice %arg5[%mul3A_80] : memref<10000xi32, #tpu.memory_space<vmem>> -> memref<80xi32, #tpu.memory_space<vmem>>
      %dma_start3A_82 = arith.constant 0 : i32
      %dma_start3A_83 = arith.constant 0 : i32
      %dma_start3A_84 = tpu.memref_slice %arg12[%dma_start3A_82, %dma_start3A_83] : memref<10000x128xf32, #tpu.memory_space<vmem_shared>> -> memref<10000x128xf32, #tpu.memory_space<vmem_shared>>
      tpu.enqueue_indirect_dma source(%dma_start3A_84 : memref<10000x128xf32, #tpu.memory_space<vmem_shared>>) target(%arg7 : memref<80x128xf32, #tpu.memory_space<vmem>>) offsets(%dma_start3A_81 : memref<80xi32, #tpu.memory_space<vmem>>) semaphore(%arg10 : memref<!tpu.dma_semaphore, #tpu.memory_space<semaphore_mem>>)
      %add3A_85 = arith.constant 2 : i32
      %add3A_86 = arith.addi %mul3A_38, %add3A_85 : i32
      %mul3A_87 = arith.constant 80 : i32
      %mul3A_88 = arith.muli %add3A_86, %mul3A_87 : i32
      %dma_wait3A_89 = tpu.memref_slice %arg5[%mul3A_88] : memref<10000xi32, #tpu.memory_space<vmem>> -> memref<80xi32, #tpu.memory_space<vmem>>
      %dma_wait3A_90 = arith.constant 0 : i32
      %dma_wait3A_91 = arith.constant 0 : i32
      %dma_wait3A_92 = tpu.memref_slice %arg12[%dma_wait3A_90, %dma_wait3A_91] : memref<10000x128xf32, #tpu.memory_space<vmem_shared>> -> memref<10000x128xf32, #tpu.memory_space<vmem_shared>>
      tpu.wait_indirect_dma semaphore(%arg11 : memref<!tpu.dma_semaphore, #tpu.memory_space<semaphore_mem>>) src(%dma_wait3A_92 : memref<10000x128xf32, #tpu.memory_space<vmem_shared>>) dst(%arg8 : memref<80x128xf32, #tpu.memory_space<vmem>>)
      %add3A_93 = arith.constant 2 : i32
      %add3A_94 = arith.addi %mul3A_38, %add3A_93 : i32
      %mul3A_95 = arith.constant 80 : i32
      %mul3A_96 = arith.muli %add3A_94, %mul3A_95 : i32
      %add3A_97 = arith.addi %mul3A_8, %mul3A_96 : i32
      "tpu.region"() ({
        %run_scoped3A = tpu.sem_alloc : memref<!tpu.dma_semaphore, #tpu.memory_space<semaphore_mem>>
        %dma_start3A_98 = arith.constant 0 : i32
        %dma_start3A_99 = tpu.memref_slice %arg4[%add3A_97, %dma_start3A_98] : memref<320000x128xf32, #tpu.memory_space<hbm>> -> memref<80x128xf32, #tpu.memory_space<hbm>>
        %dma_start3A_100 = arith.constant 0 : i32
        %dma_start3A_101 = tpu.memref_slice %arg4[%add3A_97, %dma_start3A_100] : memref<320000x128xf32, #tpu.memory_space<hbm>> -> memref<80x128xf32, #tpu.memory_space<hbm>>
        tpu.enqueue_dma source(%arg8 : memref<80x128xf32, #tpu.memory_space<vmem>>) target(%dma_start3A_101 : memref<80x128xf32, #tpu.memory_space<hbm>>) target_semaphore(%run_scoped3A : memref<!tpu.dma_semaphore, #tpu.memory_space<semaphore_mem>>)
        %dma_wait3A_102 = arith.constant 0 : i32
        %dma_wait3A_103 = tpu.memref_slice %arg4[%add3A_97, %dma_wait3A_102] : memref<320000x128xf32, #tpu.memory_space<hbm>> -> memref<80x128xf32, #tpu.memory_space<hbm>>
        %dma_wait3A_104 = arith.constant 0 : i32
        %dma_wait3A_105 = tpu.memref_slice %arg4[%add3A_97, %dma_wait3A_104] : memref<320000x128xf32, #tpu.memory_space<hbm>> -> memref<80x128xf32, #tpu.memory_space<hbm>>
        tpu.wait_dma2 semaphore(%run_scoped3A : memref<!tpu.dma_semaphore, #tpu.memory_space<semaphore_mem>>) src(%arg8 : memref<80x128xf32, #tpu.memory_space<vmem>>) dst(%dma_wait3A_105 : memref<80x128xf32, #tpu.memory_space<hbm>>)
        tpu.yield
      }) : () -> ()
    }
    %scan3A_22 = arith.constant 41 : i32
    %dma_wait3A = arith.constant 9840 : i32
    %dma_wait3A_23 = tpu.memref_slice %arg5[%dma_wait3A] : memref<10000xi32, #tpu.memory_space<vmem>> -> memref<80xi32, #tpu.memory_space<vmem>>
    %dma_wait3A_24 = arith.constant 0 : i32
    %dma_wait3A_25 = arith.constant 0 : i32
    %dma_wait3A_26 = tpu.memref_slice %arg12[%dma_wait3A_24, %dma_wait3A_25] : memref<10000x128xf32, #tpu.memory_space<vmem_shared>> -> memref<10000x128xf32, #tpu.memory_space<vmem_shared>>
    tpu.wait_indirect_dma semaphore(%arg9 : memref<!tpu.dma_semaphore, #tpu.memory_space<semaphore_mem>>) src(%dma_wait3A_26 : memref<10000x128xf32, #tpu.memory_space<vmem_shared>>) dst(%arg6 : memref<80x128xf32, #tpu.memory_space<vmem>>)
    %add3A_27 = arith.constant 9840 : i32
    %add3A_28 = arith.addi %mul3A_8, %add3A_27 : i32
    "tpu.region"() ({
      %run_scoped3A = tpu.sem_alloc : memref<!tpu.dma_semaphore, #tpu.memory_space<semaphore_mem>>
      %dma_start3A_36 = arith.constant 0 : i32
      %dma_start3A_37 = tpu.memref_slice %arg4[%add3A_28, %dma_start3A_36] : memref<320000x128xf32, #tpu.memory_space<hbm>> -> memref<80x128xf32, #tpu.memory_space<hbm>>
      %dma_start3A_38 = arith.constant 0 : i32
      %dma_start3A_39 = tpu.memref_slice %arg4[%add3A_28, %dma_start3A_38] : memref<320000x128xf32, #tpu.memory_space<hbm>> -> memref<80x128xf32, #tpu.memory_space<hbm>>
      tpu.enqueue_dma source(%arg6 : memref<80x128xf32, #tpu.memory_space<vmem>>) target(%dma_start3A_39 : memref<80x128xf32, #tpu.memory_space<hbm>>) target_semaphore(%run_scoped3A : memref<!tpu.dma_semaphore, #tpu.memory_space<semaphore_mem>>)
      %dma_wait3A_40 = arith.constant 0 : i32
      %dma_wait3A_41 = tpu.memref_slice %arg4[%add3A_28, %dma_wait3A_40] : memref<320000x128xf32, #tpu.memory_space<hbm>> -> memref<80x128xf32, #tpu.memory_space<hbm>>
      %dma_wait3A_42 = arith.constant 0 : i32
      %dma_wait3A_43 = tpu.memref_slice %arg4[%add3A_28, %dma_wait3A_42] : memref<320000x128xf32, #tpu.memory_space<hbm>> -> memref<80x128xf32, #tpu.memory_space<hbm>>
      tpu.wait_dma2 semaphore(%run_scoped3A : memref<!tpu.dma_semaphore, #tpu.memory_space<semaphore_mem>>) src(%arg6 : memref<80x128xf32, #tpu.memory_space<vmem>>) dst(%dma_wait3A_43 : memref<80x128xf32, #tpu.memory_space<hbm>>)
      tpu.yield
    }) : () -> ()
    %dma_wait3A_29 = arith.constant 9920 : i32
    %dma_wait3A_30 = tpu.memref_slice %arg5[%dma_wait3A_29] : memref<10000xi32, #tpu.memory_space<vmem>> -> memref<80xi32, #tpu.memory_space<vmem>>
    %dma_wait3A_31 = arith.constant 0 : i32
    %dma_wait3A_32 = arith.constant 0 : i32
    %dma_wait3A_33 = tpu.memref_slice %arg12[%dma_wait3A_31, %dma_wait3A_32] : memref<10000x128xf32, #tpu.memory_space<vmem_shared>> -> memref<10000x128xf32, #tpu.memory_space<vmem_shared>>
    tpu.wait_indirect_dma semaphore(%arg10 : memref<!tpu.dma_semaphore, #tpu.memory_space<semaphore_mem>>) src(%dma_wait3A_33 : memref<10000x128xf32, #tpu.memory_space<vmem_shared>>) dst(%arg7 : memref<80x128xf32, #tpu.memory_space<vmem>>)
    %add3A_34 = arith.constant 9920 : i32
    %add3A_35 = arith.addi %mul3A_8, %add3A_34 : i32
    "tpu.region"() ({
      %run_scoped3A = tpu.sem_alloc : memref<!tpu.dma_semaphore, #tpu.memory_space<semaphore_mem>>
      %dma_start3A_36 = arith.constant 0 : i32
      %dma_start3A_37 = tpu.memref_slice %arg4[%add3A_35, %dma_start3A_36] : memref<320000x128xf32, #tpu.memory_space<hbm>> -> memref<80x128xf32, #tpu.memory_space<hbm>>
      %dma_start3A_38 = arith.constant 0 : i32
      %dma_start3A_39 = tpu.memref_slice %arg4[%add3A_35, %dma_start3A_38] : memref<320000x128xf32, #tpu.memory_space<hbm>> -> memref<80x128xf32, #tpu.memory_space<hbm>>
      tpu.enqueue_dma source(%arg7 : memref<80x128xf32, #tpu.memory_space<vmem>>) target(%dma_start3A_39 : memref<80x128xf32, #tpu.memory_space<hbm>>) target_semaphore(%run_scoped3A : memref<!tpu.dma_semaphore, #tpu.memory_space<semaphore_mem>>)
      %dma_wait3A_40 = arith.constant 0 : i32
      %dma_wait3A_41 = tpu.memref_slice %arg4[%add3A_35, %dma_wait3A_40] : memref<320000x128xf32, #tpu.memory_space<hbm>> -> memref<80x128xf32, #tpu.memory_space<hbm>>
      %dma_wait3A_42 = arith.constant 0 : i32
      %dma_wait3A_43 = tpu.memref_slice %arg4[%add3A_35, %dma_wait3A_42] : memref<320000x128xf32, #tpu.memory_space<hbm>> -> memref<80x128xf32, #tpu.memory_space<hbm>>
      tpu.wait_dma2 semaphore(%run_scoped3A : memref<!tpu.dma_semaphore, #tpu.memory_space<semaphore_mem>>) src(%arg7 : memref<80x128xf32, #tpu.memory_space<vmem>>) dst(%dma_wait3A_43 : memref<80x128xf32, #tpu.memory_space<hbm>>)
      tpu.yield
    }) : () -> ()
    return
  }
}

module attributes {stable_mosaic.version = 14 : i64} {
  func.func @_mailw_body(%arg0: i32, %arg1: memref<2x1000x128xf32, #tpu.memory_space<vmem>>, %arg2: memref<128x128xf32, #tpu.memory_space<vmem>>, %arg3: memref<1000x128xf32, #tpu.memory_space<vmem>>) attributes {dimension_semantics = [#tpu.dimension_semantics<arbitrary>], iteration_bounds = array<i64: 10>, scalar_prefetch = 0 : i64, scratch_operands = 0 : i64, tpu.core_type = #tpu.core_type<tc>, window_params = [{transform_indices = @transform_0, window_bounds = array<i64: 2, 1000, 128>}, {pipeline_mode = #tpu.pipeline_mode<synchronous>, transform_indices = @transform_1, window_bounds = array<i64: 128, 128>}, {transform_indices = @transform_2, window_bounds = array<i64: 1000, 128>}]} {
    %get3A = arith.constant 0 : index
    %get3A_0 = arith.constant 0 : index
    %get3A_1 = arith.constant 0 : index
    %get3A_2 = vector.load %arg1[%get3A, %get3A_0, %get3A_1] : memref<2x1000x128xf32, #tpu.memory_space<vmem>>, vector<1x1000x128xf32>
    %get3A_3 = vector.shape_cast %get3A_2 : vector<1x1000x128xf32> to vector<1000x128xf32>
    %get3A_4 = arith.constant 1 : index
    %get3A_5 = arith.constant 0 : index
    %get3A_6 = arith.constant 0 : index
    %get3A_7 = vector.load %arg1[%get3A_4, %get3A_5, %get3A_6] : memref<2x1000x128xf32, #tpu.memory_space<vmem>>, vector<1x1000x128xf32>
    %get3A_8 = vector.shape_cast %get3A_7 : vector<1x1000x128xf32> to vector<1000x128xf32>
    %add3A = arith.addf %get3A_3, %get3A_8 : vector<1000x128xf32>
    %get3A_9 = arith.constant 0 : index
    %get3A_10 = arith.constant 0 : index
    %get3A_11 = vector.load %arg2[%get3A_9, %get3A_10] : memref<128x128xf32, #tpu.memory_space<vmem>>, vector<128x128xf32>
    %dot_general3A = arith.constant dense<0.000000e+00> : vector<1000x128xf32>
    %dot_general3A_12 = tpu.matmul %add3A, %get3A_11, %dot_general3A {dimension_numbers = #tpu.dot_dimension_numbers<[1], [0], [0], [1], [0, 0, 1, 1], [], []>, transpose_lhs_hint = false} : vector<1000x128xf32>, vector<128x128xf32>, vector<1000x128xf32> -> vector<1000x128xf32>
    %swap3A = arith.constant 0 : index
    %swap3A_13 = arith.constant 0 : index
    %swap3A_14 = vector.load %arg3[%swap3A, %swap3A_13] : memref<1000x128xf32, #tpu.memory_space<vmem>>, vector<1000x128xf32>
    tpu.vector_store %arg3[%swap3A, %swap3A_13], %dot_general3A_12 {strides = array<i32>} : memref<1000x128xf32, #tpu.memory_space<vmem>>, vector<1000x128xf32>,
    return
  }
  func.func @transform_0(%arg0: i32) -> (i32, i32, i32) {
    %c0_i32 = arith.constant 0 : i32
    %c0_i32_0 = arith.constant 0 : i32
    %c0_i32_1 = arith.constant 0 : i32
    return %c0_i32, %arg0, %c0_i32_0 : i32, i32, i32
  }
  func.func @transform_1(%arg0: i32) -> (i32, i32) {
    %c0_i32 = arith.constant 0 : i32
    %c0_i32_0 = arith.constant 0 : i32
    %c0_i32_1 = arith.constant 0 : i32
    return %c0_i32, %c0_i32_0 : i32, i32
  }
  func.func @transform_2(%arg0: i32) -> (i32, i32) {
    %c0_i32 = arith.constant 0 : i32
    %c0_i32_0 = arith.constant 0 : i32
    return %arg0, %c0_i32 : i32, i32
  }
}

module attributes {stable_mosaic.version = 14 : i64} {
  func.func @_fused_body(%arg0: i32, %arg1: memref<6400x128xf32, #tpu.memory_space<vmem>>, %arg2: memref<6400x128xf32, #tpu.memory_space<vmem>>, %arg3: memref<6400x128xf32, #tpu.memory_space<vmem>>, %arg4: memref<128x128xf32, #tpu.memory_space<vmem>>, %arg5: memref<6400x128xf32, #tpu.memory_space<vmem>>) attributes {dimension_semantics = [#tpu.dimension_semantics<arbitrary>], iteration_bounds = array<i64: 50>, scalar_prefetch = 0 : i64, scratch_operands = 0 : i64, tpu.core_type = #tpu.core_type<tc>, window_params = [{transform_indices = @transform_0, window_bounds = array<i64: 6400, 128>}, {transform_indices = @transform_1, window_bounds = array<i64: 6400, 128>}, {transform_indices = @transform_2, window_bounds = array<i64: 6400, 128>}, {pipeline_mode = #tpu.pipeline_mode<synchronous>, transform_indices = @transform_3, window_bounds = array<i64: 128, 128>}, {transform_indices = @transform_4, window_bounds = array<i64: 6400, 128>}]} {
    %get3A = arith.constant 0 : index
    %get3A_0 = arith.constant 0 : index
    %get3A_1 = vector.load %arg1[%get3A, %get3A_0] : memref<6400x128xf32, #tpu.memory_space<vmem>>, vector<6400x128xf32>
    %get3A_2 = arith.constant 0 : index
    %get3A_3 = arith.constant 0 : index
    %get3A_4 = vector.load %arg2[%get3A_2, %get3A_3] : memref<6400x128xf32, #tpu.memory_space<vmem>>, vector<6400x128xf32>
    %get3A_5 = arith.constant 0 : index
    %get3A_6 = arith.constant 0 : index
    %get3A_7 = vector.load %arg4[%get3A_5, %get3A_6] : memref<128x128xf32, #tpu.memory_space<vmem>>, vector<128x128xf32>
    %dot_general3A = arith.constant dense<0.000000e+00> : vector<6400x128xf32>
    %dot_general3A_8 = tpu.matmul %get3A_4, %get3A_7, %dot_general3A {dimension_numbers = #tpu.dot_dimension_numbers<[1], [0], [0], [1], [0, 0, 1, 1], [], []>, transpose_lhs_hint = false} : vector<6400x128xf32>, vector<128x128xf32>, vector<6400x128xf32> -> vector<6400x128xf32>
    %sub3A = arith.subf %get3A_1, %dot_general3A_8 : vector<6400x128xf32>
    %get3A_9 = arith.constant 0 : index
    %get3A_10 = arith.constant 0 : index
    %get3A_11 = vector.load %arg3[%get3A_9, %get3A_10] : memref<6400x128xf32, #tpu.memory_space<vmem>>, vector<6400x128xf32>
    %add3A = arith.addf %sub3A, %get3A_11 : vector<6400x128xf32>
    %swap3A = arith.constant 0 : index
    %swap3A_12 = arith.constant 0 : index
    %swap3A_13 = vector.load %arg5[%swap3A, %swap3A_12] : memref<6400x128xf32, #tpu.memory_space<vmem>>, vector<6400x128xf32>
    tpu.vector_store %arg5[%swap3A, %swap3A_12], %add3A {strides = array<i32>} : memref<6400x128xf32, #tpu.memory_space<vmem>>, vector<6400x128xf32>,
    return
  }
  func.func @transform_0(%arg0: i32) -> (i32, i32) {
    %c0_i32 = arith.constant 0 : i32
    %c0_i32_0 = arith.constant 0 : i32
    return %arg0, %c0_i32 : i32, i32
  }
  func.func @transform_1(%arg0: i32) -> (i32, i32) {
    %c0_i32 = arith.constant 0 : i32
    %c0_i32_0 = arith.constant 0 : i32
    return %arg0, %c0_i32 : i32, i32
  }
  func.func @transform_2(%arg0: i32) -> (i32, i32) {
    %c0_i32 = arith.constant 0 : i32
    %c0_i32_0 = arith.constant 0 : i32
    return %arg0, %c0_i32 : i32, i32
  }
  func.func @transform_3(%arg0: i32) -> (i32, i32) {
    %c0_i32 = arith.constant 0 : i32
    %c0_i32_0 = arith.constant 0 : i32
    %c0_i32_1 = arith.constant 0 : i32
    return %c0_i32, %c0_i32_0 : i32, i32
  }
  func.func @transform_4(%arg0: i32) -> (i32, i32) {
    %c0_i32 = arith.constant 0 : i32
    %c0_i32_0 = arith.constant 0 : i32
    return %arg0, %c0_i32 : i32, i32
  }
}

</mosaic_0001>

<sc_bundles>
// kernel: kernel.6.cloned.1.call-start
scs
__scs_entry_jumppad:
0x0: {  	(pc) =	sbr.rel $0x88, $3  }
0x1: {  	(tag) =	ssettag $0x0;
	lr =	simm.s32 $0x1  }
0x2: {  	[smem:$0x3F9D] =	sst lr;
	_ =	strace $0xD0000000  }
0x3: {  	_ = 	snop  }
0x4: {  	_ = 	snop  }
0x5: {  	_ = 	snop  }
0x6: {  	_ = 	snop  }
0x7: {  	_ = 	snop  }
__scs_overlays_trampoline_lowered:
0x8: {  	[smem:$0x3FAC] =	sst s0  }
0x9: {  	[smem:$0x3FAD] =	sst s1  }
0xa: {  	[smem:$0x3FAE] =	sst s2  }
0xb: {  	[smem:$0x3FAF] =	sst s3  }
0xc: {  	[smem:$0x3FB0] =	sst s4  }
0xd: {  	[smem:$0x3FB1] =	sst s5  }
0xe: {  	[smem:$0x3FB2] =	sst s6  }
0xf: {  	[smem:$0x3FB3] =	sst s7  }
0x10: {  	[smem:$0x3FB4] =	sst s8  }
0x11: {  	[smem:$0x3FB5] =	sst s9;
	s0 =	simm.s32 @!p0 $0x0  }
0x12: {  	s1 =	sld [smem:$0x3F9B];
	s0 =	simm.s32 @p0 $0x1  }
0x13: {  	[smem:$0x3FB6] =	sst s0;
	s0 =	simm.s32 @!p1 $0x0  }
0x14: {  	s2 =	sld [smem:$0x3F9A];
	s0 =	simm.s32 @p1 $0x1  }
0x15: {  	[smem:$0x3FB7] =	sst s0;
	s0 =	simm.s32 @!p2 $0x0  }
0x16: {  	s3 =	sld [smem:$0x3FDB];
	s0 =	simm.s32 @p2 $0x1  }
0x17: {  	s4 =	simm.s32 $0x1BF5;
	[smem:$0x3FB9] =	sst s0  }
0x18: {  	s0 =	sld [smem:$0x3F9C];
	_ =	swait.ge [sflag:s4], $0x0  }
0x19: {  	s7 =	sld [smem:$0x3F9D]  }
0x1a: {  	s8 =	sadd.s32 $0xFFFFE003, lr  }
0x1b: {  	s9 =	sadd.s32 $0xFFFFFEF7, lr;
	s5 =	simm.s32 $0xFFFFFFFF;
	p2 =	slt.u32 s8, $0xFFFFF086  }
0x1c: {  	p1 =	slt.u32 s9, $0xF7A;
	s5 =	simm.s32 @!p2 $0x0  }
0x1d: {  	s5 =	simm.s32 @p1 $0x1;
	p0 =	seq.s32 s7, s2  }
0x1e: {  	s7 =	smul.u32 @!p0 $0xF7A, s2;
	p2 =	seq.s32 @!p0 s5, $0x0  }
0x1f: {  	s9 =	smul.u32 $0xF7A, s1;
	s8 =	simm.s32 @!p0 $0x1BF5;
	p2 =	por !p2, p0  }
0x20: {  	[sflag:s8] =	ssyncset.s32 @!p0 $0xFFFFF086;
	s6 =	sadd.s32 @!p0 s3, s7;
	s7 =	simm.s32 @!p0 $0x108  }
0x21: {  	s3 =	sadd.s32 s3, s9;
	s6 =	sadd.s32 @!p0 $0x88, s6;
	s7 =	simm.s32 @p2 $0x1082  }
0x22: {  	[simem:s7], [sflag:s8] =	dma.local @!p0 [hbm:s6], $0xF7A  }
0x23: {  	s9 =	sor.u32 $0xD0000000, s2;
	s6 =	simm.s32 $0x108;
	_ =	swait.ge @!p0 [sflag:s8], $0x0  }
0x24: {  	s3 =	sadd.s32 $0x88, s3;
	s6 =	simm.s32 @!p1 $0x1082;
	[sflag:s4] =	ssyncset.s32 $0xFFFFF086  }
0x25: {  	[simem:s6], [sflag:s4] =	dma.local [hbm:s3], $0xF7A  }
0x26: {  	[smem:$0x3F9D] =	sst s1;
	(tag) =	ssettag s2;
	_ =	strace s9  }
0x27: {  	s1 =	sld [smem:$0x3FAD]  }
0x28: {  	s2 =	sld [smem:$0x3FAE]  }
0x29: {  	s4 =	sld [smem:$0x3FB0]  }
0x2a: {  	p0 =	seq.s32 s5, $0x0;
	s5 =	sld [smem:$0x3FB1]  }
0x2b: {  	s6 =	sld [smem:$0x3FB2]  }
0x2c: {  	s7 =	sld [smem:$0x3FB3]  }
0x2d: {  	s3 =	simm.s32 $0x108;
	s8 =	sld [smem:$0x3FB4]  }
0x2e: {  	s3 =	simm.s32 @!p0 $0x1082;
	s9 =	sld [smem:$0x3FB5]  }
0x2f: {  	lr =	sadd.s32 s0, s3;
	s0 =	sld [smem:$0x3FAC]  }
0x30: {  	s3 =	sld [smem:$0x3FAF]  }
0x31: {  	[smem:$0x3FB8] =	sst s10  }
0x32: {  	s10 =	sld [smem:$0x3FB6];
	_ =	sdelay $0x3  }
0x33: {  	p0 =	seq.s32 s10, $0x1;
	s10 =	sld [smem:$0x3FB8];
	_ =	sdelay $0x3  }
0x34: {  	[smem:$0x3FB8] =	sst s10  }
0x35: {  	s10 =	sld [smem:$0x3FB7];
	_ =	sdelay $0x3  }
0x36: {  	p1 =	seq.s32 s10, $0x1;
	s10 =	sld [smem:$0x3FB8];
	_ =	sdelay $0x3  }
0x37: {  	[smem:$0x3FB8] =	sst s10  }
0x38: {  	s10 =	sld [smem:$0x3FB9]  }
0x39: {  	_ = 	snop;
	(pc) =	sbr.ind lr, $3  }
0x3a: {  	_ = 	snop  }
0x3b: {  	_ = 	snop  }
0x3c: {  	p2 =	seq.s32 s10, $0x1;
	s10 =	sld [smem:$0x3FB8]  }
0x3d: {  	_ =	shalt  }
0x3e: {  	_ =	shalt  }
0x3f: {  	_ =	shalt  }
0x40: {  	_ =	shalt  }
0x41: {  	_ =	shalt  }
0x42: {  	_ =	shalt  }
0x43: {  	_ =	shalt  }
0x44: {  	_ =	shalt  }
0x45: {  	_ =	shalt  }
0x46: {  	_ =	shalt  }
0x47: {  	_ =	shalt  }
0x48: {  	_ =	shalt  }
0x49: {  	_ =	shalt  }
0x4a: {  	_ =	shalt  }
0x4b: {  	_ =	shalt  }
0x4c: {  	_ =	shalt  }
0x4d: {  	_ =	shalt  }
0x4e: {  	_ =	shalt  }
0x4f: {  	_ =	shalt  }
0x50: {  	_ =	shalt  }
0x51: {  	_ =	shalt  }
0x52: {  	_ =	shalt  }
0x53: {  	_ =	shalt  }
0x54: {  	_ =	shalt  }
0x55: {  	_ =	shalt  }
0x56: {  	_ =	shalt  }
0x57: {  	_ =	shalt  }
0x58: {  	_ =	shalt  }
0x59: {  	_ =	shalt  }
0x5a: {  	_ =	shalt  }
0x5b: {  	_ =	shalt  }
0x5c: {  	_ =	shalt  }
0x5d: {  	_ =	shalt  }
0x5e: {  	_ =	shalt  }
0x5f: {  	_ =	shalt  }
0x60: {  	_ =	shalt  }
0x61: {  	_ =	shalt  }
0x62: {  	_ =	shalt  }
0x63: {  	_ =	shalt  }
0x64: {  	_ =	shalt  }
0x65: {  	_ =	shalt  }
0x66: {  	_ =	shalt  }
0x67: {  	_ =	shalt  }
0x68: {  	_ =	shalt  }
0x69: {  	_ =	shalt  }
0x6a: {  	_ =	shalt  }
0x6b: {  	_ =	shalt  }
0x6c: {  	_ =	shalt  }
0x6d: {  	_ =	shalt  }
0x6e: {  	_ =	shalt  }
0x6f: {  	_ =	shalt  }
0x70: {  	_ =	shalt  }
0x71: {  	_ =	shalt  }
0x72: {  	_ =	shalt  }
0x73: {  	_ =	shalt  }
0x74: {  	_ =	shalt  }
0x75: {  	_ =	shalt  }
0x76: {  	_ =	shalt  }
0x77: {  	_ =	shalt  }
0x78: {  	_ =	shalt  }
0x79: {  	_ =	shalt  }
0x7a: {  	_ =	shalt  }
0x7b: {  	_ =	shalt  }
0x7c: {  	_ =	shalt  }
0x7d: {  	_ =	shalt  }
0x7e: {  	_ =	shalt  }
0x7f: {  	_ =	shalt  }
0x80: {  	_ =	shalt  }
0x81: {  	_ =	shalt  }
0x82: {  	_ =	shalt  }
0x83: {  	_ =	shalt  }
0x84: {  	_ =	shalt  }
0x85: {  	_ =	shalt  }
0x86: {  	_ =	shalt  }
0x87: {  	_ =	shalt  }
.Lfunc_end0:
.L_simem_size_0:
called_computation_lowered:
.L_overlay_start_0:
0x88: {  	s2 =	sld [smem:$0x3FD9]  }
0x89: {  	s3 =	sld [smem:$0x3FFE];
	_ =	sdelay $0x1  }
0x8a: {  	s1 =	srdreg.scid  }
0x8b: {  	s0 =	sand.u32 $0x1, s1  }
0x8c: {  	s17 =	sshll.u32 s0, $0xA;
	s2 =	sadd.s32 s3, s2  }
0x8d: {  	s2 =	sadd.s32 s2, s17  }
0x8e: {  	[smem:$0x3FC4] =	sst s2  }
0x8f: {  	_ = 	snop  }
0x90: {  	s2 =	sld [smem:$0x3FC9]  }
0x91: {  	s18 =	sld [smem:$0x3FD0];
	(tm) =	ssettm $0x1  }
0x92: {  	s4 =	sld [smem:$0x3FFB];
	_ =	sdelay $0x3  }
0x93: {  	_ =	strace s4  }
0x94: {  	s4 =	sld [smem:$0x3FFC];
	_ =	sdelay $0x3  }
0x95: {  	_ =	strace s4  }
0x96: {  	s4 =	sld [smem:$0x3FFD];
	_ =	sdelay $0x3  }
0x97: {  	_ =	strace s4  }
0x98: {  	_ =	strace $0x8FFFFFFF  }
0x99: {  	s19 =	sld [smem:$0x3FDB];
	_ =	sdelay $0x1  }
0x9a: {  	s5 =	simm.s32 $_scs_section_size  }
0x9b: {  	s6 =	simm.s32 $_size__tile_overlayer_lowered;
	s7 =	simm.s32 $_tile_overlayer_lowered  }
0x9c: {  	s22 =	simm.s32 $0x1BFF;
	s21 =	sshll.u32 s7, $0x1;
	s4 =	sadd.s32 s5, s19  }
0x9d: {  	s8 =	simm.s32 $0x0;
	s20 =	sshll.u32 s6, $0x1;
	s6 =	sadd.s32 s21, s4  }
0x9e: {  	[timem:s8], [sflag:s22] =	dma.local [hbm:s6], s20  }
0x9f: {  	_ =	swait.ge [sflag:s22], s20  }
0xa0: {  	s5 =	ssub.s32 $0x0, s20;
	[sflag:s22] =	ssyncset.done $0x0  }
0xa1: {  	[sflag:s22] =	ssyncadd.s32 s5;
	_ =	sdelay $0x1  }
0xa2: {  	s23 =	simm.s32 $0x1B8B  }
0xa3: {  	_ =	swait.ge [sflag:s23], $0x1  }
0xa4: {  	[sflag:s23] =	ssyncset.done $0x0  }
0xa5: {  	s25 =	simm.s32 $0x1B8E;
	s24 =	sld [smem:$0x3FFE];
	[sflag:s23] =	ssyncadd.s32 $0xFFFFFFFF  }
0xa6: {  	s26 =	simm.s32 $execute0_lowered;
	[smem:$0x3FD2] =	sst s25  }
0xa7: {  	s6 =	sshll.u32 s26, $0x1;
	_ =	strace $0x80000046;
	[dreg:$0x1] =	wrdreg $0xFFFFFFFF  }
0xa8: {  	s28 =	simm.s32 $_size_execute0_lowered;
	s4 =	sadd.s32 s4, s6;
	[dreg:$0x0] =	wrdreg $0x0  }
0xa9: {  	s6 =	sshll.u32 s28, $0x1;
	[dreg:$0x2] =	wrdreg s4  }
0xaa: {  	[dreg:$0x3] =	wrdreg s6  }
0xab: {  	[dreg:$0x4] =	wrdreg $0xC0  }
0xac: {  	_ =	task [dreg:s8], $0x5FFFF  }
0xad: {  	[dreg:$0x1] =	wrdreg $0xFFFFFFFF  }
0xae: {  	[dreg:$0x0] =	wrdreg $0x60  }
0xaf: {  	[dreg:$0x2] =	wrdreg s2  }
0xb0: {  	[dreg:$0x3] =	wrdreg s24  }
0xb1: {  	[dreg:$0x4] =	wrdreg s18  }
0xb2: {  	[dreg:$0x5] =	wrdreg $0xB8000  }
0xb3: {  	[dreg:$0x6] =	wrdreg $0x9  }
0xb4: {  	_ =	task.clear_ibuf [dreg:s8], $0x7FFFF;
	_ =	strace $0x90000046  }
0xb5: {  	s29 =	simm.s32 $0x9;
	_ =	strace $0x80000048  }
0xb6: {  	_ =	swait.ge [sflag:s29], $0x1  }
0xb7: {  	[sflag:s29] =	ssyncadd.s32 $0xFFFFFFFF  }
0xb8: {  	_ =	strace $0x90000048  }
0xb9: {  	_ =	sfence  }
0xba: {  	s30 =	sld [smem:$0x0];
	_ =	sdelay $0x2  }
0xbb: {  	s31 =	sshll.u32 s1, $0xD;
	s1 =	sshrl.u32 s1, $0x2  }
0xbc: {  	s3 =	sand.u32 $0x4000, s31;
	s1 =	sadd.s32 s1, s30  }
0xbd: {  	s0 =	sor.u32 s3, s0;
	s1 =	sshll.u32 s1, $0x11  }
0xbe: {  	s0 =	sor.u32 s1, s0  }
0xbf: {  	s0 =	sadd.s32 $0x8F2B, s0  }
0xc0: {  	[sflag:s0] =	ssyncadd.remote.s32 $0x1  }
0xc1: {  	_ =	sfence.sel $0xFFFF  }
0xc2: {  	[dreg:$0x0] =	wrdreg $0xFFFFFFFF;
	(pc) =	sbr.abs _section_cstart, $3  }
0xc3: {  	[dreg:$0x1] =	wrdreg $0xFFFFFFFF  }
0xc4: {  	_ =	task.clear_ibuf [dreg:s8], $0x2FFFF;
	_ =	strace $0x9FFFFFFF  }
0xc5: {  	(tm) =	ssettm $0x7FFFFFFF  }
tec
execute0_lowered:
.L_overlay_start_1:
0x0: {  	(tag) =	ssettag $0x1  }
0x1: {  	s12 =	rddreg [dreg:$0x0]  }
0x2: {  	s5 =	rddreg [dreg:$0x1]  }
0x3: {  	s0 =	srdreg.scid;
	s10 =	rddreg [dreg:$0x2]  }
0x4: {  	s2 =	rddreg [dreg:$0x3];
	s11 =	sand.u32 $0x1, s0;
	s0 =	stileid.u32  }
0x5: {  	s3 =	simm.s32 $0x0;
	s18 =	simm.s32 $0x6800;
	s7 =	smul.u32 $0x2780, s0  }
0x6: {  	s19 =	simm.s32 $0x9000;
	s20 =	simm.s32 $0x1;
	s8 =	smul.u32 $0x4F000, s0  }
0x7: {  	s21 =	simm.s32 $0x50;
	s22 =	simm.s32 $0x2;
	s23 =	smul.u32 $0x138800, s11  }
0x8: {  	[smem:$0x7FF] =	sst s3;
	s17 =	sadd.s32 $0x128400, s2;
	s24 =	smul.u32 $0x13C00, s0  }
0x9: {  	s4 =	sshll.u32 s11, $0x4;
	_ =	strace $0x80000047;
	s30 =	smul.u32 $0x271000, s11  }
0xa: {  	s9 =	ssub.s32 $0x2, s11;
	s31 =	smul.u32 $0x27100, s0;
	s4 =	sor.u32 s0, s4  }
0xb: {  	p0 =	seq.s32 s0, $0xF;
	s14 =	sshrl.u32 s9, $0x1;
	s6 =	sshll.u32 s4, $0xB  }
0xc: {  	s7 =	sadd.s32 s7, s5;
	s13 =	smul.u32 $0x27100, s4;
	s8 =	sshrl.u32 s8, $0x2  }
0xd: {  	s15 =	smul.u32 $0x138800, s4;
	s14 =	ssub.s32 s9, s14;
	s26 =	sadd.s32 s24, s23  }
0xe: {  	s29 =	sshrl.u32 s23, $0x3;
	s23 =	simm.s32 $0x3;
	s24 =	simm.s32 $0x3D80  }
0xf: {  	s6 =	sadd.s32 s6, s5;
	s16 =	sadd.s32 s8, s2;
	s4 =	sadd.s32 $0x1A600, s7  }
0x10: {  	s5 =	sadd.s32 $0x3F680, s5;
	s28 =	sshrl.u32 s26, $0x3;
	s11 =	smax.u32 s14, $0x1  }
0x11: {  	s14 =	sshll.u32 @!p0 s0, $0x6;
	s26 =	simm.s32 $0x0;
	s6 =	sadd.s32 $0xA600, s6  }
0x12: {  	s15 =	sshrl.u32 s15, $0x3;
	s7 =	sadd.s32 s12, s13;
	s9 =	sadd.s32 s10, s28  }
0x13: {  	s10 =	sadd.s32 s10, s29;
	s13 =	sshrl.u32 @p0 s17, $0x3;
	s14 =	sor.u32 @!p0 $0x1C04, s14  }
0x14: {  	s17 =	simm.s32 $0x4000;
	s25 =	sadd.s32 s12, s15;
	s10 =	sadd.s32 $0x25080, s10  }
0x15: {  	s12 =	sadd.s32 s30, s12;
	s15 =	sshrl.u32 @!p0 s16, $0x3;
	s16 =	simm.s32 $0x4  }
0x16: {  	s8 =	sadd.s32 $0x500, s25;
	s12 =	sadd.s32 s31, s12;
	s25 =	simm.s32 $0x3E00  }
.LBB2_1:
0x17: {  	s28 =	simm.s32 @p0 $0x1FC4  }
0x18: {  	[spmem:s13], [sflag:s28] =	dma.local @p0 [hbm:s5], $0x2080  }
0x19: {  	s28 =	simm.s32 @p0 $0x4  }
0x1a: {  	_ =	swait.ge @p0 [sflag:s28], $0x2080  }
0x1b: {  	[sflag:s28] =	ssyncset.done @p0 $0x0  }
0x1c: {  	[sflag:s28] =	ssyncadd.s32 @p0 $0xFFFFDF80;
	s28 =	simm.s32 @!p0 $0x4  }
0x1d: {  	[spmem:s15], [sflag:s14] =	dma.local @!p0 [hbm:s4], $0x2780  }
0x1e: {  	_ =	swait.ge @!p0 [sflag:s28], $0x2780  }
0x1f: {  	[sflag:s28] =	ssyncset.done @!p0 $0x0  }
0x20: {  	[sflag:s28] =	ssyncadd.s32 @!p0 $0xFFFFD880  }
0x21: {  	[bflag:$0x0] =	sbarrier.arrive $0xFFFF  }
0x22: {  	[tilespmem:s3], [sflag:$0x4] =	stream.linear.gather [hbm4b:s6+s3], $0x3E80, $0x38;
	[tilespmem:$0x1F080] =	vst v63  }
0x23: {  	_ =	swait.ge [sflag:s16], $0x3E80  }
0x24: {  	[sflag:s16] =	ssyncset.done $0x0  }
0x25: {  	[sflag:s16] =	ssyncadd.s32 $0xFFFFC180  }
0x26: {  	[tilespmem:s17], [sflag:$0x1] =	stream.linear.gather [hbm4b:s7+s3], $0x2800, $0x38;
	[tilespmem:$0x1F080] =	vst v63  }
0x27: {  	s28 =	sadd.s32 $0x0, s12  }
0x28: {  	[tilespmem:s18], [sflag:$0x2] =	stream.linear.gather [hbm4b:s8+s3], $0x2800, $0x38;
	[tilespmem:$0x1F080] =	vst v63  }
0x29: {  	s29 =	sadd.s32 $0xA00, s28  }
0x2a: {  	[tilespmem:s19], [sflag:$0x3] =	stream.linear.gather [hbm4b:s29+s3], $0x2800, $0x38;
	[tilespmem:$0x1F080] =	vst v63  }
0x2b: {  	_ =	swait.ge [sflag:s20], $0x2800  }
0x2c: {  	[sflag:s20] =	ssyncset.done $0x0  }
0x2d: {  	s29 =	simm.s32 $0x0;
	[sflag:s20] =	ssyncadd.s32 $0xFFFFD800  }
0x2e: {  	[spmem:s2] =	stream.indirect.scatter.add.f32 [tilespmem:s17], [sflag:$0x4], $0x80, s29, s21, $0xb8;
	[tilespmem:$0x1F080] =	vst v63  }
0x2f: {  	_ =	swait.ge [sflag:s16], $0x2800  }
0x30: {  	[sflag:s16] =	ssyncset.done $0x0  }
0x31: {  	s29 =	sadd.s32 $0xF00, s28;
	[sflag:s16] =	ssyncadd.s32 $0xFFFFD800  }
0x32: {  	[tilespmem:s17], [sflag:$0x1] =	stream.linear.gather [hbm4b:s29+s3], $0x2800, $0x38;
	[tilespmem:$0x1F080] =	vst v63  }
0x33: {  	_ =	swait.ge [sflag:s22], $0x2800  }
0x34: {  	[sflag:s22] =	ssyncset.done $0x0  }
0x35: {  	s29 =	simm.s32 $0x80;
	[sflag:s22] =	ssyncadd.s32 $0xFFFFD800  }
0x36: {  	[spmem:s2] =	stream.indirect.scatter.add.f32 [tilespmem:s18], [sflag:$0x4], $0x80, s29, s21, $0xb8;
	[tilespmem:$0x1F080] =	vst v63  }
0x37: {  	_ =	swait.ge [sflag:s16], $0x2800  }
0x38: {  	[sflag:s16] =	ssyncset.done $0x0  }
0x39: {  	s28 =	sadd.s32 $0x1400, s28;
	[sflag:s16] =	ssyncadd.s32 $0xFFFFD800  }
0x3a: {  	[tilespmem:s18], [sflag:$0x2] =	stream.linear.gather [hbm4b:s28+s3], $0x2800, $0x38;
	[tilespmem:$0x1F080] =	vst v63  }
0x3b: {  	_ =	swait.ge [sflag:s23], $0x2800  }
0x3c: {  	[sflag:s23] =	ssyncset.done $0x0  }
0x3d: {  	s28 =	simm.s32 $0x100;
	[sflag:s23] =	ssyncadd.s32 $0xFFFFD800  }
0x3e: {  	[spmem:s2] =	stream.indirect.scatter.add.f32 [tilespmem:s19], [sflag:$0x4], $0x80, s28, s21, $0xb8;
	[tilespmem:$0x1F080] =	vst v63  }
0x3f: {  	s30 =	simm.s32 $0x1E00;
	_ =	swait.ge [sflag:s16], $0x2800  }
0x40: {  	s29 =	sadd.s32 $0xF00, s12;
	s28 =	simm.s32 $0x200;
	[sflag:s16] =	ssyncset.done $0x0  }
.LBB2_2:
0x41: {  	s31 =	sadd.s32 $0xA00, s29  }
0x42: {  	[sflag:s16] =	ssyncadd.s32 $0xFFFFD800;
	s0 =	smov.u32 s30;
	s1 =	sadd.s32 $0xF00, s30  }
0x43: {  	[tilespmem:s19], [sflag:$0x3] =	stream.linear.gather [hbm4b:s31+s3], $0x2800, $0x38;
	[tilespmem:$0x1F080] =	vst v63  }
0x44: {  	p1 =	sne.s32 s30, $0x25800;
	_ =	swait.ge [sflag:s20], $0x2800  }
0x45: {  	[sflag:s20] =	ssyncset.done $0x0  }
0x46: {  	s30 =	sadd.s32 $0xFFFFFF80, s28;
	[sflag:s20] =	ssyncadd.s32 $0xFFFFD800  }
0x47: {  	[spmem:s2] =	stream.indirect.scatter.add.f32 [tilespmem:s17], [sflag:$0x4], $0x80, s30, s21, $0xb8;
	[tilespmem:$0x1F080] =	vst v63  }
0x48: {  	_ =	swait.ge [sflag:s16], $0x2800  }
0x49: {  	[sflag:s16] =	ssyncset.done $0x0  }
0x4a: {  	s30 =	sadd.s32 $0xF00, s29;
	[sflag:s16] =	ssyncadd.s32 $0xFFFFD800  }
0x4b: {  	[tilespmem:s17], [sflag:$0x1] =	stream.linear.gather [hbm4b:s30+s3], $0x2800, $0x38;
	[tilespmem:$0x1F080] =	vst v63  }
0x4c: {  	_ =	swait.ge [sflag:s22], $0x2800  }
0x4d: {  	[sflag:s22] =	ssyncset.done $0x0  }
0x4e: {  	[sflag:s22] =	ssyncadd.s32 $0xFFFFD800  }
0x4f: {  	[spmem:s2] =	stream.indirect.scatter.add.f32 [tilespmem:s18], [sflag:$0x4], $0x80, s28, s21, $0xb8;
	[tilespmem:$0x1F080] =	vst v63  }
0x50: {  	_ =	swait.ge [sflag:s16], $0x2800  }
0x51: {  	[sflag:s16] =	ssyncset.done $0x0  }
0x52: {  	s29 =	sadd.s32 $0x1400, s29;
	[sflag:s16] =	ssyncadd.s32 $0xFFFFD800  }
0x53: {  	[tilespmem:s18], [sflag:$0x2] =	stream.linear.gather [hbm4b:s29+s3], $0x2800, $0x38;
	[tilespmem:$0x1F080] =	vst v63  }
0x54: {  	_ =	swait.ge [sflag:s23], $0x2800  }
.Ltmp0:
0x55: {  	[sflag:s23] =	ssyncset.done $0x0;
	(pc) =	sbr.rel @p1 .LBB2_2-.Ltmp0, $4  }
0x56: {  	s29 =	sadd.s32 $0x80, s28;
	[sflag:s23] =	ssyncadd.s32 $0xFFFFD800  }
0x57: {  	[spmem:s2] =	stream.indirect.scatter.add.f32 [tilespmem:s19], [sflag:$0x4], $0x80, s29, s21, $0xb8;
	[tilespmem:$0x1F080] =	vst v63  }
0x58: {  	s30 =	smov.u32 s1;
	_ =	swait.ge [sflag:s16], $0x2800  }
0x59: {  	s28 =	sadd.s32 $0x180, s28;
	s29 =	sadd.s32 s0, s12;
	[sflag:s16] =	ssyncset.done $0x0  }
0x5a: {  	s0 =	sadd.s32 $0xA00, s29;
	[sflag:s16] =	ssyncadd.s32 $0xFFFFD800  }
0x5b: {  	[tilespmem:s19], [sflag:$0x3] =	stream.linear.gather [hbm4b:s0+s3], $0x2800, $0x38;
	[tilespmem:$0x1F080] =	vst v63  }
0x5c: {  	_ =	swait.ge [sflag:s20], $0x2800  }
0x5d: {  	[sflag:s20] =	ssyncset.done $0x0  }
0x5e: {  	s31 =	sadd.s32 $0xFFFFFF80, s28;
	[sflag:s20] =	ssyncadd.s32 $0xFFFFD800  }
0x5f: {  	[spmem:s2] =	stream.indirect.scatter.add.f32 [tilespmem:s17], [sflag:$0x4], $0x80, s31, s21, $0xb8;
	[tilespmem:$0x1F080] =	vst v63  }
0x60: {  	_ =	swait.ge [sflag:s16], $0x2800  }
0x61: {  	[sflag:s16] =	ssyncset.done $0x0  }
0x62: {  	s1 =	sadd.s32 $0xF00, s29;
	[sflag:s16] =	ssyncadd.s32 $0xFFFFD800  }
0x63: {  	[tilespmem:s17], [sflag:$0x1] =	stream.linear.gather [hbm4b:s1+s3], $0x2800, $0x38;
	[tilespmem:$0x1F080] =	vst v63  }
0x64: {  	_ =	swait.ge [sflag:s22], $0x2800  }
0x65: {  	[sflag:s22] =	ssyncset.done $0x0  }
0x66: {  	[sflag:s22] =	ssyncadd.s32 $0xFFFFD800  }
0x67: {  	[spmem:s2] =	stream.indirect.scatter.add.f32 [tilespmem:s18], [sflag:$0x4], $0x80, s28, s21, $0xb8;
	[tilespmem:$0x1F080] =	vst v63  }
0x68: {  	_ =	swait.ge [sflag:s16], $0x2800  }
0x69: {  	[sflag:s16] =	ssyncset.done $0x0  }
0x6a: {  	s30 =	sadd.s32 $0x1400, s29;
	[sflag:s16] =	ssyncadd.s32 $0xFFFFD800  }
0x6b: {  	[tilespmem:s18], [sflag:$0x2] =	stream.linear.gather [hbm4b:s30+s3], $0x2800, $0x38;
	[tilespmem:$0x1F080] =	vst v63  }
0x6c: {  	_ =	swait.ge [sflag:s23], $0x2800  }
0x6d: {  	[sflag:s23] =	ssyncset.done $0x0  }
0x6e: {  	s31 =	sadd.s32 $0x80, s28;
	[sflag:s23] =	ssyncadd.s32 $0xFFFFD800  }
0x6f: {  	[spmem:s2] =	stream.indirect.scatter.add.f32 [tilespmem:s19], [sflag:$0x4], $0x80, s31, s21, $0xb8;
	[tilespmem:$0x1F080] =	vst v63  }
0x70: {  	_ =	swait.ge [sflag:s16], $0x2800  }
0x71: {  	[sflag:s16] =	ssyncset.done $0x0  }
0x72: {  	[sflag:s16] =	ssyncadd.s32 $0xFFFFD800  }
0x73: {  	_ =	swait.ge [sflag:s20], $0x2800  }
0x74: {  	[sflag:s20] =	ssyncset.done $0x0  }
0x75: {  	[sflag:s20] =	ssyncadd.s32 $0xFFFFD800  }
0x76: {  	[spmem:s2] =	stream.indirect.scatter.add.f32 [tilespmem:s17], [sflag:$0x4], $0x80, s24, s21, $0xb8;
	[tilespmem:$0x1F080] =	vst v63  }
0x77: {  	_ =	swait.ge [sflag:s16], $0x2800  }
0x78: {  	[sflag:s16] =	ssyncset.done $0x0  }
0x79: {  	[sflag:s16] =	ssyncadd.s32 $0xFFFFD800  }
0x7a: {  	_ =	swait.ge [sflag:s22], $0x2800  }
0x7b: {  	[sflag:s22] =	ssyncset.done $0x0  }
0x7c: {  	[sflag:s22] =	ssyncadd.s32 $0xFFFFD800  }
0x7d: {  	[spmem:s2] =	stream.indirect.scatter.add.f32 [tilespmem:s18], [sflag:$0x4], $0x80, s25, s21, $0xb8;
	[tilespmem:$0x1F080] =	vst v63  }
0x7e: {  	_ =	swait.ge [sflag:s16], $0x2800  }
0x7f: {  	[sflag:s16] =	ssyncset.done $0x0  }
0x80: {  	[sflag:s16] =	ssyncadd.s32 $0xFFFFD800  }
0x81: {  	s0 =	simm.s32 @p0 $0x1FC4;
	[bflag:$0x0] =	sbarrier.arrive $0xFFFF  }
0x82: {  	[hbm:s10], [sflag:s0] =	dma.local @p0 [spmem:s13], $0x2080  }
0x83: {  	s0 =	simm.s32 @p0 $0x4  }
0x84: {  	s26 =	sadd.s32 $0x1, s26;
	_ =	swait.ge @p0 [sflag:s0], $0x2080  }
0x85: {  	p1 =	sne.s32 s26, s11;
	[sflag:s0] =	ssyncset.done @p0 $0x0  }
.Ltmp1:
0x86: {  	[sflag:s0] =	ssyncadd.s32 @p0 $0xFFFFDF80;
	s0 =	simm.s32 @!p0 $0x4;
	(pc) =	sbr.rel @p1 .LBB2_1-.Ltmp1, $4  }
0x87: {  	[hbm:s9], [sflag:s14] =	dma.local @!p0 [spmem:s15], $0x2780  }
0x88: {  	_ =	swait.ge @!p0 [sflag:s0], $0x2780  }
0x89: {  	[sflag:s0] =	ssyncset.done @!p0 $0x0  }
0x8a: {  	[sflag:s0] =	ssyncadd.s32 @!p0 $0xFFFFD880  }
0x8b: {  	_ =	sfence.sel $0x180000  }
0x8c: {  	[bflag:$0x0] =	sbarrier.arrive $0xFFFF  }
0x8d: {  	_ =	strace $0x90000047  }
0x8e: {  	s0 =	stileid.u32;
	[bflag:$0x2] =	sbarrier.arrive $0xFFFF  }
0x8f: {  	p0 =	sne.s32 s0, $0x0;
	s0 =	rddreg [dreg:$0x4]  }
0x90: {  	s0 =	sadd.s32 @!p0 $0x100000, s0  }
0x91: {  	[sflag:s0] =	ssyncadd.tile.s32 @!p0 $0x1;
	_ =	shalt  }
.Lfunc_end2:
_tile_overlayer_lowered:
.L_overlay_start_2:
0x92: {  	(tag) =	ssettag $0x2  }
0x93: {  	s0 =	rddreg [dreg:$0x0];
	s2 =	stileid.u32  }
0x94: {  	s1 =	rddreg [dreg:$0x1];
	p0 =	sne.s32 s2, $0x0  }
0x95: {  	s3 =	rddreg [dreg:$0x2];
	[bflag:$0x3] =	sbarrier.arrive $0xFFFF;
	s2 =	simm.s32 @!p0 $0x1C04  }
0x96: {  	[timem:s3], [sflag:s2] =	dma.local @!p0 [hbm:s0], s1  }
0x97: {  	s0 =	simm.s32 @!p0 $0x4  }
0x98: {  	_ =	swait.ge @!p0 [sflag:s0], s1  }
0x99: {  	s1 =	ssub.s32 @!p0 $0x0, s1;
	[sflag:s0] =	ssyncset.done @!p0 $0x0  }
0x9a: {  	[sflag:s0] =	ssyncadd.s32 @!p0 s1  }
0x9b: {  	[bflag:$0x3] =	sbarrier.arrive $0xFFFF  }
0x9c: {  	_ =	shalt  }

// kernel: kernel.9.cloned.1.call-start
scs
__scs_entry_jumppad:
0x0: {  	(pc) =	sbr.rel $0x88, $3  }
0x1: {  	(tag) =	ssettag $0x0;
	lr =	simm.s32 $0x1  }
0x2: {  	[smem:$0x3F9D] =	sst lr;
	_ =	strace $0xD0000000  }
0x3: {  	_ = 	snop  }
0x4: {  	_ = 	snop  }
0x5: {  	_ = 	snop  }
0x6: {  	_ = 	snop  }
0x7: {  	_ = 	snop  }
__scs_overlays_trampoline_lowered:
0x8: {  	[smem:$0x3FAC] =	sst s0  }
0x9: {  	[smem:$0x3FAD] =	sst s1  }
0xa: {  	[smem:$0x3FAE] =	sst s2  }
0xb: {  	[smem:$0x3FAF] =	sst s3  }
0xc: {  	[smem:$0x3FB0] =	sst s4  }
0xd: {  	[smem:$0x3FB1] =	sst s5  }
0xe: {  	[smem:$0x3FB2] =	sst s6  }
0xf: {  	[smem:$0x3FB3] =	sst s7  }
0x10: {  	[smem:$0x3FB4] =	sst s8  }
0x11: {  	[smem:$0x3FB5] =	sst s9;
	s0 =	simm.s32 @!p0 $0x0  }
0x12: {  	s1 =	sld [smem:$0x3F9B];
	s0 =	simm.s32 @p0 $0x1  }
0x13: {  	[smem:$0x3FB6] =	sst s0;
	s0 =	simm.s32 @!p1 $0x0  }
0x14: {  	s2 =	sld [smem:$0x3F9A];
	s0 =	simm.s32 @p1 $0x1  }
0x15: {  	[smem:$0x3FB7] =	sst s0;
	s0 =	simm.s32 @!p2 $0x0  }
0x16: {  	s3 =	sld [smem:$0x3FDB];
	s0 =	simm.s32 @p2 $0x1  }
0x17: {  	s4 =	simm.s32 $0x1BF5;
	[smem:$0x3FB9] =	sst s0  }
0x18: {  	s0 =	sld [smem:$0x3F9C];
	_ =	swait.ge [sflag:s4], $0x0  }
0x19: {  	s7 =	sld [smem:$0x3F9D]  }
0x1a: {  	s8 =	sadd.s32 $0xFFFFE003, lr  }
0x1b: {  	s9 =	sadd.s32 $0xFFFFFEF7, lr;
	s5 =	simm.s32 $0xFFFFFFFF;
	p2 =	slt.u32 s8, $0xFFFFF086  }
0x1c: {  	p1 =	slt.u32 s9, $0xF7A;
	s5 =	simm.s32 @!p2 $0x0  }
0x1d: {  	s5 =	simm.s32 @p1 $0x1;
	p0 =	seq.s32 s7, s2  }
0x1e: {  	s7 =	smul.u32 @!p0 $0xF7A, s2;
	p2 =	seq.s32 @!p0 s5, $0x0  }
0x1f: {  	s9 =	smul.u32 $0xF7A, s1;
	s8 =	simm.s32 @!p0 $0x1BF5;
	p2 =	por !p2, p0  }
0x20: {  	[sflag:s8] =	ssyncset.s32 @!p0 $0xFFFFF086;
	s6 =	sadd.s32 @!p0 s3, s7;
	s7 =	simm.s32 @!p0 $0x108  }
0x21: {  	s3 =	sadd.s32 s3, s9;
	s6 =	sadd.s32 @!p0 $0x88, s6;
	s7 =	simm.s32 @p2 $0x1082  }
0x22: {  	[simem:s7], [sflag:s8] =	dma.local @!p0 [hbm:s6], $0xF7A  }
0x23: {  	s9 =	sor.u32 $0xD0000000, s2;
	s6 =	simm.s32 $0x108;
	_ =	swait.ge @!p0 [sflag:s8], $0x0  }
0x24: {  	s3 =	sadd.s32 $0x88, s3;
	s6 =	simm.s32 @!p1 $0x1082;
	[sflag:s4] =	ssyncset.s32 $0xFFFFF086  }
0x25: {  	[simem:s6], [sflag:s4] =	dma.local [hbm:s3], $0xF7A  }
0x26: {  	[smem:$0x3F9D] =	sst s1;
	(tag) =	ssettag s2;
	_ =	strace s9  }
0x27: {  	s1 =	sld [smem:$0x3FAD]  }
0x28: {  	s2 =	sld [smem:$0x3FAE]  }
0x29: {  	s4 =	sld [smem:$0x3FB0]  }
0x2a: {  	p0 =	seq.s32 s5, $0x0;
	s5 =	sld [smem:$0x3FB1]  }
0x2b: {  	s6 =	sld [smem:$0x3FB2]  }
0x2c: {  	s7 =	sld [smem:$0x3FB3]  }
0x2d: {  	s3 =	simm.s32 $0x108;
	s8 =	sld [smem:$0x3FB4]  }
0x2e: {  	s3 =	simm.s32 @!p0 $0x1082;
	s9 =	sld [smem:$0x3FB5]  }
0x2f: {  	lr =	sadd.s32 s0, s3;
	s0 =	sld [smem:$0x3FAC]  }
0x30: {  	s3 =	sld [smem:$0x3FAF]  }
0x31: {  	[smem:$0x3FB8] =	sst s10  }
0x32: {  	s10 =	sld [smem:$0x3FB6];
	_ =	sdelay $0x3  }
0x33: {  	p0 =	seq.s32 s10, $0x1;
	s10 =	sld [smem:$0x3FB8];
	_ =	sdelay $0x3  }
0x34: {  	[smem:$0x3FB8] =	sst s10  }
0x35: {  	s10 =	sld [smem:$0x3FB7];
	_ =	sdelay $0x3  }
0x36: {  	p1 =	seq.s32 s10, $0x1;
	s10 =	sld [smem:$0x3FB8];
	_ =	sdelay $0x3  }
0x37: {  	[smem:$0x3FB8] =	sst s10  }
0x38: {  	s10 =	sld [smem:$0x3FB9]  }
0x39: {  	_ = 	snop;
	(pc) =	sbr.ind lr, $3  }
0x3a: {  	_ = 	snop  }
0x3b: {  	_ = 	snop  }
0x3c: {  	p2 =	seq.s32 s10, $0x1;
	s10 =	sld [smem:$0x3FB8]  }
0x3d: {  	_ =	shalt  }
0x3e: {  	_ =	shalt  }
0x3f: {  	_ =	shalt  }
0x40: {  	_ =	shalt  }
0x41: {  	_ =	shalt  }
0x42: {  	_ =	shalt  }
0x43: {  	_ =	shalt  }
0x44: {  	_ =	shalt  }
0x45: {  	_ =	shalt  }
0x46: {  	_ =	shalt  }
0x47: {  	_ =	shalt  }
0x48: {  	_ =	shalt  }
0x49: {  	_ =	shalt  }
0x4a: {  	_ =	shalt  }
0x4b: {  	_ =	shalt  }
0x4c: {  	_ =	shalt  }
0x4d: {  	_ =	shalt  }
0x4e: {  	_ =	shalt  }
0x4f: {  	_ =	shalt  }
0x50: {  	_ =	shalt  }
0x51: {  	_ =	shalt  }
0x52: {  	_ =	shalt  }
0x53: {  	_ =	shalt  }
0x54: {  	_ =	shalt  }
0x55: {  	_ =	shalt  }
0x56: {  	_ =	shalt  }
0x57: {  	_ =	shalt  }
0x58: {  	_ =	shalt  }
0x59: {  	_ =	shalt  }
0x5a: {  	_ =	shalt  }
0x5b: {  	_ =	shalt  }
0x5c: {  	_ =	shalt  }
0x5d: {  	_ =	shalt  }
0x5e: {  	_ =	shalt  }
0x5f: {  	_ =	shalt  }
0x60: {  	_ =	shalt  }
0x61: {  	_ =	shalt  }
0x62: {  	_ =	shalt  }
0x63: {  	_ =	shalt  }
0x64: {  	_ =	shalt  }
0x65: {  	_ =	shalt  }
0x66: {  	_ =	shalt  }
0x67: {  	_ =	shalt  }
0x68: {  	_ =	shalt  }
0x69: {  	_ =	shalt  }
0x6a: {  	_ =	shalt  }
0x6b: {  	_ =	shalt  }
0x6c: {  	_ =	shalt  }
0x6d: {  	_ =	shalt  }
0x6e: {  	_ =	shalt  }
0x6f: {  	_ =	shalt  }
0x70: {  	_ =	shalt  }
0x71: {  	_ =	shalt  }
0x72: {  	_ =	shalt  }
0x73: {  	_ =	shalt  }
0x74: {  	_ =	shalt  }
0x75: {  	_ =	shalt  }
0x76: {  	_ =	shalt  }
0x77: {  	_ =	shalt  }
0x78: {  	_ =	shalt  }
0x79: {  	_ =	shalt  }
0x7a: {  	_ =	shalt  }
0x7b: {  	_ =	shalt  }
0x7c: {  	_ =	shalt  }
0x7d: {  	_ =	shalt  }
0x7e: {  	_ =	shalt  }
0x7f: {  	_ =	shalt  }
0x80: {  	_ =	shalt  }
0x81: {  	_ =	shalt  }
0x82: {  	_ =	shalt  }
0x83: {  	_ =	shalt  }
0x84: {  	_ =	shalt  }
0x85: {  	_ =	shalt  }
0x86: {  	_ =	shalt  }
0x87: {  	_ =	shalt  }
.Lfunc_end0:
.L_simem_size_0:
called_computation.1_lowered:
.L_overlay_start_0:
0x88: {  	s2 =	sld [smem:$0x3FD9]  }
0x89: {  	s3 =	sld [smem:$0x3FFE];
	_ =	sdelay $0x1  }
0x8a: {  	s1 =	srdreg.scid  }
0x8b: {  	s0 =	sand.u32 $0x1, s1  }
0x8c: {  	s17 =	sshll.u32 s0, $0xA;
	s2 =	sadd.s32 s3, s2  }
0x8d: {  	s2 =	sadd.s32 s2, s17  }
0x8e: {  	[smem:$0x3FC4] =	sst s2  }
0x8f: {  	_ = 	snop  }
0x90: {  	s2 =	sld [smem:$0x3FD0];
	(tm) =	ssettm $0x1  }
0x91: {  	s18 =	sld [smem:$0x3FFB];
	_ =	sdelay $0x3  }
0x92: {  	_ =	strace s18  }
0x93: {  	s3 =	sld [smem:$0x3FFC];
	_ =	sdelay $0x3  }
0x94: {  	_ =	strace s3  }
0x95: {  	s3 =	sld [smem:$0x3FFD];
	_ =	sdelay $0x3  }
0x96: {  	_ =	strace s3  }
0x97: {  	_ =	strace $0x8FFFFFFF  }
0x98: {  	s19 =	sld [smem:$0x3FDB];
	_ =	sdelay $0x1  }
0x99: {  	s4 =	simm.s32 $_scs_section_size  }
0x9a: {  	s5 =	simm.s32 $_size__tile_overlayer_lowered;
	s6 =	simm.s32 $_tile_overlayer_lowered  }
0x9b: {  	s22 =	simm.s32 $0x1BFF;
	s21 =	sshll.u32 s6, $0x1;
	s3 =	sadd.s32 s4, s19  }
0x9c: {  	s7 =	simm.s32 $0x0;
	s20 =	sshll.u32 s5, $0x1;
	s5 =	sadd.s32 s21, s3  }
0x9d: {  	[timem:s7], [sflag:s22] =	dma.local [hbm:s5], s20  }
0x9e: {  	_ =	swait.ge [sflag:s22], s20  }
0x9f: {  	s4 =	ssub.s32 $0x0, s20;
	[sflag:s22] =	ssyncset.done $0x0  }
0xa0: {  	[sflag:s22] =	ssyncadd.s32 s4;
	_ =	sdelay $0x1  }
0xa1: {  	s23 =	simm.s32 $0x1B8B  }
0xa2: {  	_ =	swait.ge [sflag:s23], $0x1  }
0xa3: {  	[sflag:s23] =	ssyncset.done $0x0  }
0xa4: {  	s25 =	simm.s32 $0x1B8E;
	s24 =	sld [smem:$0x3FFE];
	[sflag:s23] =	ssyncadd.s32 $0xFFFFFFFF  }
0xa5: {  	s26 =	simm.s32 $execute0_lowered;
	[smem:$0x3FD2] =	sst s25  }
0xa6: {  	s5 =	sshll.u32 s26, $0x1;
	_ =	strace $0x80000049;
	[dreg:$0x1] =	wrdreg $0xFFFFFFFF  }
0xa7: {  	s28 =	simm.s32 $_size_execute0_lowered;
	s3 =	sadd.s32 s3, s5;
	[dreg:$0x0] =	wrdreg $0x0  }
0xa8: {  	s5 =	sshll.u32 s28, $0x1;
	[dreg:$0x2] =	wrdreg s3  }
0xa9: {  	[dreg:$0x3] =	wrdreg s5  }
0xaa: {  	[dreg:$0x4] =	wrdreg $0xC0  }
0xab: {  	_ =	task [dreg:s7], $0x5FFFF  }
0xac: {  	[dreg:$0x1] =	wrdreg $0xFFFFFFFF  }
0xad: {  	[dreg:$0x0] =	wrdreg $0x60  }
0xae: {  	[dreg:$0x2] =	wrdreg s2  }
0xaf: {  	[dreg:$0x3] =	wrdreg s24  }
0xb0: {  	[dreg:$0x4] =	wrdreg $0x9F800  }
0xb1: {  	[dreg:$0x5] =	wrdreg $0x9  }
0xb2: {  	_ =	task.clear_ibuf [dreg:s7], $0x6FFFF;
	_ =	strace $0x90000049  }
0xb3: {  	s29 =	simm.s32 $0x9;
	_ =	strace $0x8000004B  }
0xb4: {  	_ =	swait.ge [sflag:s29], $0x1  }
0xb5: {  	[sflag:s29] =	ssyncadd.s32 $0xFFFFFFFF  }
0xb6: {  	_ =	strace $0x9000004B  }
0xb7: {  	_ =	sfence  }
0xb8: {  	s30 =	sld [smem:$0x0];
	_ =	sdelay $0x2  }
0xb9: {  	s31 =	sshll.u32 s1, $0xD;
	s1 =	sshrl.u32 s1, $0x2  }
0xba: {  	s3 =	sand.u32 $0x4000, s31;
	s1 =	sadd.s32 s1, s30  }
0xbb: {  	s0 =	sor.u32 s3, s0;
	s1 =	sshll.u32 s1, $0x11  }
0xbc: {  	s0 =	sor.u32 s1, s0  }
0xbd: {  	s0 =	sadd.s32 $0x8F2B, s0  }
0xbe: {  	[sflag:s0] =	ssyncadd.remote.s32 $0x1  }
0xbf: {  	_ =	sfence.sel $0xFFFF  }
0xc0: {  	[dreg:$0x0] =	wrdreg $0xFFFFFFFF;
	(pc) =	sbr.abs _section_cstart, $3  }
0xc1: {  	[dreg:$0x1] =	wrdreg $0xFFFFFFFF  }
0xc2: {  	_ =	task.clear_ibuf [dreg:s7], $0x2FFFF;
	_ =	strace $0x9FFFFFFF  }
0xc3: {  	(tm) =	ssettm $0x7FFFFFFF  }
tec
execute0_lowered:
.L_overlay_start_1:
0x0: {  	(tag) =	ssettag $0x1  }
0x1: {  	s6 =	rddreg [dreg:$0x0]  }
0x2: {  	s4 =	rddreg [dreg:$0x1]  }
0x3: {  	s0 =	srdreg.scid;
	s2 =	rddreg [dreg:$0x2]  }
0x4: {  	s3 =	simm.s32 $0x0;
	s16 =	simm.s32 $0x2780;
	s17 =	simm.s32 $0x4F80  }
0x5: {  	s18 =	simm.s32 $0x7780;
	s19 =	simm.s32 $0x1;
	s20 =	simm.s32 $0x2  }
0x6: {  	s21 =	simm.s32 $0x3;
	s5 =	sand.u32 $0x1, s0;
	s0 =	stileid.u32  }
0x7: {  	s22 =	simm.s32 $0x0;
	[smem:$0x7FF] =	sst s3;
	s9 =	smul.u32 $0x4F000, s0  }
0x8: {  	s10 =	sadd.s32 $0xA600, s4;
	s1 =	sshll.u32 s5, $0x4;
	s11 =	smul.u32 $0x2780, s0  }
0x9: {  	s30 =	ssub.s32 $0x2, s5;
	s31 =	smul.u32 $0x271000, s5;
	s5 =	sadd.s32 $0x25080, s6  }
0xa: {  	s15 =	smul.u32 $0x27100, s0;
	p0 =	seq.s32 s0, $0xF;
	s7 =	sor.u32 s0, s1  }
0xb: {  	s1 =	rddreg [dreg:$0x3];
	_ =	strace $0x8000004A;
	s8 =	smul.u32 $0x2710, s7  }
0xc: {  	s12 =	sshrl.u32 s30, $0x1;
	s9 =	sshrl.u32 s9, $0x2;
	s7 =	smul.u32 $0x138800, s7  }
0xd: {  	s12 =	ssub.s32 s30, s12;
	s13 =	sadd.s32 s9, s2;
	s9 =	sadd.s32 s31, s10  }
0xe: {  	s8 =	sshrl.u32 s8, $0x3;
	s7 =	sshrl.u32 s7, $0x3;
	s13 =	sshrl.u32 @!p0 s13, $0x3  }
0xf: {  	s8 =	sadd.s32 s8, s4;
	s4 =	sadd.s32 s6, s11;
	s11 =	sadd.s32 $0x128400, s2  }
0x10: {  	s14 =	sadd.s32 s10, s7;
	s10 =	sadd.s32 s15, s9;
	s9 =	smax.u32 s12, $0x1  }
0x11: {  	s12 =	sshll.u32 @!p0 s0, $0x6;
	s15 =	simm.s32 $0x50;
	s6 =	sadd.s32 $0x800, s8  }
0x12: {  	s7 =	sadd.s32 $0x26700, s14;
	s8 =	sadd.s32 $0x26C00, s14;
	s10 =	sadd.s32 $0x500, s10  }
0x13: {  	s11 =	sshrl.u32 @p0 s11, $0x3;
	s12 =	sor.u32 @!p0 $0x1C04, s12;
	s14 =	simm.s32 $0x4  }
.LBB2_1:
0x14: {  	s23 =	simm.s32 @p0 $0x1FC4  }
0x15: {  	[spmem:s11], [sflag:s23] =	dma.local @p0 [hbm:s5], $0x2080  }
0x16: {  	s23 =	simm.s32 @p0 $0x4  }
0x17: {  	_ =	swait.ge @p0 [sflag:s23], $0x2080  }
0x18: {  	[sflag:s23] =	ssyncset.done @p0 $0x0  }
0x19: {  	[sflag:s23] =	ssyncadd.s32 @p0 $0xFFFFDF80;
	s23 =	simm.s32 @!p0 $0x4  }
0x1a: {  	[spmem:s13], [sflag:s12] =	dma.local @!p0 [hbm:s4], $0x2780  }
0x1b: {  	_ =	swait.ge @!p0 [sflag:s23], $0x2780  }
0x1c: {  	[sflag:s23] =	ssyncset.done @!p0 $0x0  }
0x1d: {  	[sflag:s23] =	ssyncadd.s32 @!p0 $0xFFFFD880  }
0x1e: {  	[tilespmem:s3], [sflag:$0x4] =	stream.linear.gather [hbm4b:s6+s3], $0x2710, $0x38;
	[tilespmem:$0x1D800] =	vst v63  }
0x1f: {  	_ =	swait.ge [sflag:s14], $0x2710  }
0x20: {  	[sflag:s14] =	ssyncset.done $0x0  }
0x21: {  	[sflag:s14] =	ssyncadd.s32 $0xFFFFD8F0  }
0x22: {  	[bflag:$0x0] =	sbarrier.arrive $0xFFFF  }
0x23: {  	[tilespmem:s16], [sflag:$0x1] =	stream.indirect.gather [spmem:s2], $0x80, s3, s15, $0xb8;
	[tilespmem:$0x1D800] =	vst v63  }
0x24: {  	_ = 	snop  }
0x25: {  	[tilespmem:s17], [sflag:$0x2] =	stream.indirect.gather [spmem:s2], $0x80, s15, s15, $0xb8;
	[tilespmem:$0x1D800] =	vst v63  }
0x26: {  	s26 =	simm.s32 $0xA0  }
0x27: {  	[tilespmem:s18], [sflag:$0x3] =	stream.indirect.gather [spmem:s2], $0x80, s26, s15, $0xb8;
	[tilespmem:$0x1D800] =	vst v63  }
0x28: {  	_ =	swait.ge [sflag:s19], $0x2800  }
0x29: {  	[sflag:s19] =	ssyncset.done $0x0  }
0x2a: {  	s28 =	sadd.s32 $0xFFFFFB00, s10;
	[sflag:s19] =	ssyncadd.s32 $0xFFFFD800  }
0x2b: {  	[hbm4b:s28+s3] =	stream.linear.scatter [tilespmem:s16], [sflag:$0x4], $0x2800, $0x38;
	[tilespmem:$0x1D800] =	vst v63  }
0x2c: {  	_ =	swait.ge [sflag:s14], $0x2800  }
0x2d: {  	[sflag:s14] =	ssyncset.done $0x0  }
0x2e: {  	s29 =	simm.s32 $0xF0;
	[sflag:s14] =	ssyncadd.s32 $0xFFFFD800  }
0x2f: {  	[tilespmem:s16], [sflag:$0x1] =	stream.indirect.gather [spmem:s2], $0x80, s29, s15, $0xb8;
	[tilespmem:$0x1D800] =	vst v63  }
0x30: {  	_ =	swait.ge [sflag:s20], $0x2800  }
0x31: {  	[sflag:s20] =	ssyncset.done $0x0  }
0x32: {  	[sflag:s20] =	ssyncadd.s32 $0xFFFFD800  }
0x33: {  	[hbm4b:s10+s3] =	stream.linear.scatter [tilespmem:s17], [sflag:$0x4], $0x2800, $0x38;
	[tilespmem:$0x1D800] =	vst v63  }
0x34: {  	_ =	swait.ge [sflag:s14], $0x2800  }
0x35: {  	[sflag:s14] =	ssyncset.done $0x0  }
0x36: {  	s30 =	simm.s32 $0x140;
	[sflag:s14] =	ssyncadd.s32 $0xFFFFD800  }
0x37: {  	[tilespmem:s17], [sflag:$0x2] =	stream.indirect.gather [spmem:s2], $0x80, s30, s15, $0xb8;
	[tilespmem:$0x1D800] =	vst v63  }
0x38: {  	_ =	swait.ge [sflag:s21], $0x2800  }
0x39: {  	[sflag:s21] =	ssyncset.done $0x0  }
0x3a: {  	s31 =	sadd.s32 $0x500, s10;
	[sflag:s21] =	ssyncadd.s32 $0xFFFFD800  }
0x3b: {  	[hbm4b:s31+s3] =	stream.linear.scatter [tilespmem:s18], [sflag:$0x4], $0x2800, $0x38;
	[tilespmem:$0x1D800] =	vst v63  }
0x3c: {  	s25 =	simm.s32 $0x780;
	_ =	swait.ge [sflag:s14], $0x2800  }
0x3d: {  	s24 =	simm.s32 $0xF0;
	s23 =	sadd.s32 $0xF00, s10;
	[sflag:s14] =	ssyncset.done $0x0  }
.LBB2_2:
0x3e: {  	s26 =	sadd.s32 $0xA0, s24  }
0x3f: {  	[sflag:s14] =	ssyncadd.s32 $0xFFFFD800;
	s28 =	smov.u32 s25;
	s29 =	sadd.s32 $0x3C0, s25  }
0x40: {  	[tilespmem:s18], [sflag:$0x3] =	stream.indirect.gather [spmem:s2], $0x80, s26, s15, $0xb8;
	[tilespmem:$0x1D800] =	vst v63  }
0x41: {  	p1 =	sne.s32 s25, $0x9600;
	_ =	swait.ge [sflag:s19], $0x2800  }
0x42: {  	[sflag:s19] =	ssyncset.done $0x0  }
0x43: {  	s25 =	sadd.s32 $0xFFFFFB00, s23;
	[sflag:s19] =	ssyncadd.s32 $0xFFFFD800  }
0x44: {  	[hbm4b:s25+s3] =	stream.linear.scatter [tilespmem:s16], [sflag:$0x4], $0x2800, $0x38;
	[tilespmem:$0x1D800] =	vst v63  }
0x45: {  	_ =	swait.ge [sflag:s14], $0x2800  }
0x46: {  	[sflag:s14] =	ssyncset.done $0x0  }
0x47: {  	s25 =	sadd.s32 $0xF0, s24;
	[sflag:s14] =	ssyncadd.s32 $0xFFFFD800  }
0x48: {  	[tilespmem:s16], [sflag:$0x1] =	stream.indirect.gather [spmem:s2], $0x80, s25, s15, $0xb8;
	[tilespmem:$0x1D800] =	vst v63  }
0x49: {  	_ =	swait.ge [sflag:s20], $0x2800  }
0x4a: {  	[sflag:s20] =	ssyncset.done $0x0  }
0x4b: {  	[sflag:s20] =	ssyncadd.s32 $0xFFFFD800  }
0x4c: {  	[hbm4b:s23+s3] =	stream.linear.scatter [tilespmem:s17], [sflag:$0x4], $0x2800, $0x38;
	[tilespmem:$0x1D800] =	vst v63  }
0x4d: {  	_ =	swait.ge [sflag:s14], $0x2800  }
0x4e: {  	[sflag:s14] =	ssyncset.done $0x0  }
0x4f: {  	s24 =	sadd.s32 $0x140, s24;
	[sflag:s14] =	ssyncadd.s32 $0xFFFFD800  }
0x50: {  	[tilespmem:s17], [sflag:$0x2] =	stream.indirect.gather [spmem:s2], $0x80, s24, s15, $0xb8;
	[tilespmem:$0x1D800] =	vst v63  }
0x51: {  	_ =	swait.ge [sflag:s21], $0x2800  }
.Ltmp0:
0x52: {  	[sflag:s21] =	ssyncset.done $0x0;
	(pc) =	sbr.rel @p1 .LBB2_2-.Ltmp0, $4  }
0x53: {  	s24 =	sadd.s32 $0x500, s23;
	[sflag:s21] =	ssyncadd.s32 $0xFFFFD800  }
0x54: {  	[hbm4b:s24+s3] =	stream.linear.scatter [tilespmem:s18], [sflag:$0x4], $0x2800, $0x38;
	[tilespmem:$0x1D800] =	vst v63  }
0x55: {  	s25 =	smov.u32 s29;
	_ =	swait.ge [sflag:s14], $0x2800  }
0x56: {  	s23 =	sadd.s32 $0xF00, s23;
	s24 =	sshra.s32 s28, $0x2;
	[sflag:s14] =	ssyncset.done $0x0  }
0x57: {  	s25 =	sadd.s32 $0xA0, s24;
	[sflag:s14] =	ssyncadd.s32 $0xFFFFD800  }
0x58: {  	[tilespmem:s18], [sflag:$0x3] =	stream.indirect.gather [spmem:s2], $0x80, s25, s15, $0xb8;
	[tilespmem:$0x1D800] =	vst v63  }
0x59: {  	_ =	swait.ge [sflag:s19], $0x2800  }
0x5a: {  	[sflag:s19] =	ssyncset.done $0x0  }
0x5b: {  	s28 =	sadd.s32 $0xFFFFFB00, s23;
	[sflag:s19] =	ssyncadd.s32 $0xFFFFD800  }
0x5c: {  	[hbm4b:s28+s3] =	stream.linear.scatter [tilespmem:s16], [sflag:$0x4], $0x2800, $0x38;
	[tilespmem:$0x1D800] =	vst v63  }
0x5d: {  	_ =	swait.ge [sflag:s14], $0x2800  }
0x5e: {  	[sflag:s14] =	ssyncset.done $0x0  }
0x5f: {  	s29 =	sadd.s32 $0xF0, s24;
	[sflag:s14] =	ssyncadd.s32 $0xFFFFD800  }
0x60: {  	[tilespmem:s16], [sflag:$0x1] =	stream.indirect.gather [spmem:s2], $0x80, s29, s15, $0xb8;
	[tilespmem:$0x1D800] =	vst v63  }
0x61: {  	_ =	swait.ge [sflag:s20], $0x2800  }
0x62: {  	[sflag:s20] =	ssyncset.done $0x0  }
0x63: {  	[sflag:s20] =	ssyncadd.s32 $0xFFFFD800  }
0x64: {  	[hbm4b:s23+s3] =	stream.linear.scatter [tilespmem:s17], [sflag:$0x4], $0x2800, $0x38;
	[tilespmem:$0x1D800] =	vst v63  }
0x65: {  	_ =	swait.ge [sflag:s14], $0x2800  }
0x66: {  	[sflag:s14] =	ssyncset.done $0x0  }
0x67: {  	s30 =	sadd.s32 $0x140, s24;
	[sflag:s14] =	ssyncadd.s32 $0xFFFFD800  }
0x68: {  	[tilespmem:s17], [sflag:$0x2] =	stream.indirect.gather [spmem:s2], $0x80, s30, s15, $0xb8;
	[tilespmem:$0x1D800] =	vst v63  }
0x69: {  	_ =	swait.ge [sflag:s21], $0x2800  }
0x6a: {  	[sflag:s21] =	ssyncset.done $0x0  }
0x6b: {  	s31 =	sadd.s32 $0x500, s23;
	[sflag:s21] =	ssyncadd.s32 $0xFFFFD800  }
0x6c: {  	[hbm4b:s31+s3] =	stream.linear.scatter [tilespmem:s18], [sflag:$0x4], $0x2800, $0x38;
	[tilespmem:$0x1D800] =	vst v63  }
0x6d: {  	_ =	swait.ge [sflag:s14], $0x2800  }
0x6e: {  	[sflag:s14] =	ssyncset.done $0x0  }
0x6f: {  	[sflag:s14] =	ssyncadd.s32 $0xFFFFD800  }
0x70: {  	_ =	swait.ge [sflag:s19], $0x2800  }
0x71: {  	[sflag:s19] =	ssyncset.done $0x0  }
0x72: {  	[sflag:s19] =	ssyncadd.s32 $0xFFFFD800  }
0x73: {  	[hbm4b:s7+s3] =	stream.linear.scatter [tilespmem:s16], [sflag:$0x4], $0x2800, $0x38;
	[tilespmem:$0x1D800] =	vst v63  }
0x74: {  	_ =	swait.ge [sflag:s14], $0x2800  }
0x75: {  	[sflag:s14] =	ssyncset.done $0x0  }
0x76: {  	[sflag:s14] =	ssyncadd.s32 $0xFFFFD800  }
0x77: {  	s22 =	sadd.s32 $0x1, s22;
	_ =	swait.ge [sflag:s20], $0x2800  }
0x78: {  	p1 =	sne.s32 s22, s9;
	[sflag:s20] =	ssyncset.done $0x0  }
.Ltmp1:
0x79: {  	[sflag:s20] =	ssyncadd.s32 $0xFFFFD800;
	(pc) =	sbr.rel @p1 .LBB2_1-.Ltmp1, $4  }
0x7a: {  	[hbm4b:s8+s3] =	stream.linear.scatter [tilespmem:s17], [sflag:$0x4], $0x2800, $0x38;
	[tilespmem:$0x1D800] =	vst v63  }
0x7b: {  	_ =	swait.ge [sflag:s14], $0x2800  }
0x7c: {  	[sflag:s14] =	ssyncset.done $0x0  }
0x7d: {  	[sflag:s14] =	ssyncadd.s32 $0xFFFFD800  }
0x7e: {  	_ =	sfence.sel $0x180000  }
0x7f: {  	[bflag:$0x0] =	sbarrier.arrive $0xFFFF  }
0x80: {  	p0 =	sne.s32 s0, $0x0;
	_ =	strace $0x9000004A  }
0x81: {  	s0 =	sadd.s32 @!p0 $0x100000, s1;
	[bflag:$0x2] =	sbarrier.arrive $0xFFFF  }
0x82: {  	[sflag:s0] =	ssyncadd.tile.s32 @!p0 $0x1;
	_ =	shalt  }
.Lfunc_end2:
_tile_overlayer_lowered:
.L_overlay_start_2:
0x83: {  	(tag) =	ssettag $0x2  }
0x84: {  	s0 =	rddreg [dreg:$0x0];
	s2 =	stileid.u32  }
0x85: {  	s1 =	rddreg [dreg:$0x1];
	p0 =	sne.s32 s2, $0x0  }
0x86: {  	s3 =	rddreg [dreg:$0x2];
	[bflag:$0x3] =	sbarrier.arrive $0xFFFF;
	s2 =	simm.s32 @!p0 $0x1C04  }
0x87: {  	[timem:s3], [sflag:s2] =	dma.local @!p0 [hbm:s0], s1  }
0x88: {  	s0 =	simm.s32 @!p0 $0x4  }
0x89: {  	_ =	swait.ge @!p0 [sflag:s0], s1  }
0x8a: {  	s1 =	ssub.s32 @!p0 $0x0, s1;
	[sflag:s0] =	ssyncset.done @!p0 $0x0  }
0x8b: {  	[sflag:s0] =	ssyncadd.s32 @!p0 s1  }
0x8c: {  	[bflag:$0x3] =	sbarrier.arrive $0xFFFF  }
0x8d: {  	_ =	shalt  }

</sc_bundles>
